<compile_context>
chip_gen: v7x
topology: tpu7x:2x2x1
jax: 0.10.2.dev20260603
libtpu: 0.0.44.dev20260713+nightly
codegen_flags: <defaults>
</compile_context>

<pallas_src>
import functools

import jax
import jax.numpy as jnp
from jax import lax
from jax.experimental import pallas as pl
from jax.experimental.pallas import tpu as pltpu
from jax.experimental.pallas import tpu_sc as plsc

NUM_INPUTS = 26
STATE_SIZE = 32
CARDINALITY = 100000
BATCH = 16384

_info = plsc.get_sparse_core_info()
NC, NS, L = _info.num_cores, _info.num_subcores, _info.num_lanes
NW = NC * NS
B_PER_W = BATCH // NW
CHUNK = 128
NCHUNK = B_PER_W // CHUNK


@functools.partial(
    pl.kernel,
    mesh=plsc.VectorSubcoreMesh(core_axis_name="c", subcore_axis_name="s"),
    out_type=jax.ShapeDtypeStruct((NUM_INPUTS, BATCH, STATE_SIZE), jnp.float32),
    scratch_types=[
        pltpu.VMEM((NCHUNK, CHUNK), jnp.int32),
        pltpu.VMEM((B_PER_W, STATE_SIZE), jnp.float32),
        pltpu.SemaphoreType.DMA,
    ],
    compiler_params=pltpu.CompilerParams(use_tc_tiling_on_sc=False),
)
def _sc_gather(idx4_hbm, tab_hbm, out_hbm, idx_v, rows_v, sem):
    wid = lax.axis_index("s") * NC + lax.axis_index("c")
    base = wid * B_PER_W

    def body(i, _):
        pltpu.sync_copy(idx4_hbm.at[i, wid], idx_v)
        off = jnp.full((L,), i * CARDINALITY, dtype=jnp.int32)
        for k in range(NCHUNK):
            for j in range(CHUNK // L):
                sl = pl.ds(j * L, L)
                idx_v[k, sl] = idx_v[k, sl] + off
        cps = [
            pltpu.async_copy(
                tab_hbm.at[idx_v.at[k]],
                rows_v.at[pl.ds(k * CHUNK, CHUNK)],
                sem,
            )
            for k in range(NCHUNK)
        ]
        for c in cps:
            c.wait()
        pltpu.sync_copy(rows_v, out_hbm.at[i, pl.ds(base, B_PER_W)])
        return _

    lax.fori_loop(0, NUM_INPUTS, body, None)


def kernel(x, tables):
    idx4 = x.T.astype(jnp.int32).reshape(NUM_INPUTS, NW, NCHUNK, CHUNK)
    tab = tables.reshape(NUM_INPUTS * CARDINALITY, STATE_SIZE)
    return _sc_gather(idx4, tab)

# --- scband reference (transcript-rebuilt; emitter-appended) ---
"""Pipeline reference for scband-categorical-input-transformation-2473901162844 (READ-ONLY COPY).

The authoritative reference and input builder live on the scoring server;
editing this copy changes nothing except your own understanding.
"""

import jax, jax.numpy as jnp
import numpy as np

NUM_INPUTS = 26
STATE_SIZE = 32
CARDINALITY = 100000
BATCH = 16384


def setup_inputs(seed: int = 0) -> dict:
    key = jax.random.key(seed)
    k_idx, k_tab = jax.random.split(key)
    x = jax.random.randint(k_idx, (BATCH, NUM_INPUTS), 0, CARDINALITY)
    # One embedding table per categorical input; all cardinalities are equal, so
    # we materialize them as a single stacked tensor [num_inputs, cardinality, state_size].
    tables = jax.random.normal(k_tab, (NUM_INPUTS, CARDINALITY, STATE_SIZE), dtype=jnp.float32)
    return {"x": x, "tables": tables}


def reference(x, tables):
    # Faithful translation: per-input embedding lookup (gather) producing a list
    # of [B, state_size] embeddings; returned stacked as [num_inputs, B, state_size].
    embeddings = []
    for i in range(NUM_INPUTS):
        emb = jnp.take(tables[i], x[:, i], axis=0)
        embeddings.append(emb)
    return jnp.stack(embeddings, axis=0)

if __name__ == "__main__":
    import jax
    _d = setup_inputs()
    print(jax.jit(kernel)(*tuple(_d.values())))

</pallas_src>

<mosaic_0001>
#map = affine_map<(d0, d1) -> (0, 0, 0, 0)>
#map1 = affine_map<(d0, d1) -> (0, 0)>
#map2 = affine_map<(d0, d1) -> (0, 0, 0)>
module attributes {stable_mosaic.version = 14 : i64} {
  func.func @_sc_gather(%arg0: i32, %arg1: i32, %arg2: memref<26x32x4x128xi32, #tpu.memory_space<hbm>>, %arg3: memref<2600000x32xf32, #tpu.memory_space<hbm>>, %arg4: memref<26x16384x32xf32, #tpu.memory_space<hbm>>, %arg5: memref<4x128xi32, #tpu.memory_space<vmem>>, %arg6: memref<512x32xf32, #tpu.memory_space<vmem>>, %arg7: memref<!tpu.dma_semaphore, #tpu.memory_space<semaphore_mem>>) attributes {dimension_semantics = [#tpu.dimension_semantics<core_parallel>, #tpu.dimension_semantics<subcore_parallel>], iteration_bounds = array<i64: 2, 16>, scalar_prefetch = 0 : i64, scratch_operands = 3 : i64, tpu.core_type = #tpu.core_type<sc_vector_subcore>, window_params = [{transform_indices = #map}, {transform_indices = #map1}, {transform_indices = #map2}]} {
    %mul3A = arith.constant 2 : i32
    %mul3A_0 = arith.muli %arg1, %mul3A : i32
    %add3A = arith.addi %mul3A_0, %arg0 : i32
    %mul3A_1 = arith.constant 512 : i32
    %mul3A_2 = arith.muli %add3A, %mul3A_1 : i32
    %scan3A = arith.constant 0 : i32
    %scan3A_3 = arith.constant 26 : i32
    %scan3A_4 = arith.addi %scan3A, %scan3A_3 : i32
    %scan3A_5 = arith.constant 1 : i32
    scf.for %scan3A_7 = %scan3A to %scan3A_4 step %scan3A_5  : i32 {
      "tpu.region"() ({
        %run_scoped3A = tpu.sem_alloc : memref<!tpu.dma_semaphore, #tpu.memory_space<semaphore_mem>>
        %dma_start3A_470 = arith.constant 0 : i32
        %dma_start3A_471 = arith.constant 0 : i32
        %dma_start3A_472 = tpu.memref_slice %arg2[%scan3A_7, %add3A, %dma_start3A_470, %dma_start3A_471] : memref<26x32x4x128xi32, #tpu.memory_space<hbm>> -> memref<1x1x4x128xi32, #tpu.memory_space<hbm>>
        %dma_start3A_473 = tpu.memref_squeeze %dma_start3A_472 : memref<1x1x4x128xi32, #tpu.memory_space<hbm>> -> memref<4x128xi32, #tpu.memory_space<hbm>>
        %dma_start3A_474 = arith.constant 0 : i32
        %dma_start3A_475 = arith.constant 0 : i32
        %dma_start3A_476 = tpu.memref_slice %arg2[%scan3A_7, %add3A, %dma_start3A_474, %dma_start3A_475] : memref<26x32x4x128xi32, #tpu.memory_space<hbm>> -> memref<1x1x4x128xi32, #tpu.memory_space<hbm>>
        %dma_start3A_477 = tpu.memref_squeeze %dma_start3A_476 : memref<1x1x4x128xi32, #tpu.memory_space<hbm>> -> memref<4x128xi32, #tpu.memory_space<hbm>>
        tpu.enqueue_dma source(%dma_start3A_477 : memref<4x128xi32, #tpu.memory_space<hbm>>) target(%arg5 : memref<4x128xi32, #tpu.memory_space<vmem>>) target_semaphore(%run_scoped3A : memref<!tpu.dma_semaphore, #tpu.memory_space<semaphore_mem>>)
        %dma_wait3A_478 = arith.constant 0 : i32
        %dma_wait3A_479 = arith.constant 0 : i32
        %dma_wait3A_480 = tpu.memref_slice %arg2[%scan3A_7, %add3A, %dma_wait3A_478, %dma_wait3A_479] : memref<26x32x4x128xi32, #tpu.memory_space<hbm>> -> memref<1x1x4x128xi32, #tpu.memory_space<hbm>>
        %dma_wait3A_481 = tpu.memref_squeeze %dma_wait3A_480 : memref<1x1x4x128xi32, #tpu.memory_space<hbm>> -> memref<4x128xi32, #tpu.memory_space<hbm>>
        %dma_wait3A_482 = arith.constant 0 : i32
        %dma_wait3A_483 = arith.constant 0 : i32
        %dma_wait3A_484 = tpu.memref_slice %arg2[%scan3A_7, %add3A, %dma_wait3A_482, %dma_wait3A_483] : memref<26x32x4x128xi32, #tpu.memory_space<hbm>> -> memref<1x1x4x128xi32, #tpu.memory_space<hbm>>
        %dma_wait3A_485 = tpu.memref_squeeze %dma_wait3A_484 : memref<1x1x4x128xi32, #tpu.memory_space<hbm>> -> memref<4x128xi32, #tpu.memory_space<hbm>>
        tpu.wait_dma2 semaphore(%run_scoped3A : memref<!tpu.dma_semaphore, #tpu.memory_space<semaphore_mem>>) src(%dma_wait3A_485 : memref<4x128xi32, #tpu.memory_space<hbm>>) dst(%arg5 : memref<4x128xi32, #tpu.memory_space<vmem>>)
        tpu.yield
      }) : () -> ()
      %mul3A_8 = arith.constant 100000 : i32
      %mul3A_9 = arith.muli %scan3A_7, %mul3A_8 : i32
      %broadcast_in_dim3A = vector.broadcast %mul3A_9 : i32 to vector<16xi32>
      %get3A = arith.constant 0 : i32
      %get3A_10 = arith.index_cast %get3A : i32 to index
      %get3A_11 = arith.constant 0 : index
      %get3A_12 = tpu.vector_load %arg5[%get3A_10, %get3A_11] {strides = array<i32>} : memref<4x128xi32, #tpu.memory_space<vmem>>, vector<1x16xi32>,
      %get3A_13 = vector.shape_cast %get3A_12 : vector<1x16xi32> to vector<16xi32>
      %add3A_14 = arith.addi %get3A_13, %broadcast_in_dim3A : vector<16xi32>
      %swap3A = arith.constant 0 : i32
      %swap3A_15 = arith.index_cast %swap3A : i32 to index
      %swap3A_16 = arith.constant 0 : index
      %swap3A_17 = tpu.vector_load %arg5[%swap3A_15, %swap3A_16] {strides = array<i32>} : memref<4x128xi32, #tpu.memory_space<vmem>>, vector<1x16xi32>,
      %swap3A_18 = vector.shape_cast %swap3A_17 : vector<1x16xi32> to vector<16xi32>
      %swap3A_19 = vector.shape_cast %add3A_14 : vector<16xi32> to vector<1x16xi32>
      tpu.vector_store %arg5[%swap3A_15, %swap3A_16], %swap3A_19 {strides = array<i32>} : memref<4x128xi32, #tpu.memory_space<vmem>>, vector<1x16xi32>,
      %get3A_20 = arith.constant 0 : i32
      %get3A_21 = arith.index_cast %get3A_20 : i32 to index
      %get3A_22 = arith.constant 16 : index
      %get3A_23 = tpu.vector_load %arg5[%get3A_21, %get3A_22] {strides = array<i32>} : memref<4x128xi32, #tpu.memory_space<vmem>>, vector<1x16xi32>,
      %get3A_24 = vector.shape_cast %get3A_23 : vector<1x16xi32> to vector<16xi32>
      %add3A_25 = arith.addi %get3A_24, %broadcast_in_dim3A : vector<16xi32>
      %swap3A_26 = arith.constant 0 : i32
      %swap3A_27 = arith.index_cast %swap3A_26 : i32 to index
      %swap3A_28 = arith.constant 16 : index
      %swap3A_29 = tpu.vector_load %arg5[%swap3A_27, %swap3A_28] {strides = array<i32>} : memref<4x128xi32, #tpu.memory_space<vmem>>, vector<1x16xi32>,
      %swap3A_30 = vector.shape_cast %swap3A_29 : vector<1x16xi32> to vector<16xi32>
      %swap3A_31 = vector.shape_cast %add3A_25 : vector<16xi32> to vector<1x16xi32>
      tpu.vector_store %arg5[%swap3A_27, %swap3A_28], %swap3A_31 {strides = array<i32>} : memref<4x128xi32, #tpu.memory_space<vmem>>, vector<1x16xi32>,
      %get3A_32 = arith.constant 0 : i32
      %get3A_33 = arith.index_cast %get3A_32 : i32 to index
      %get3A_34 = arith.constant 32 : index
      %get3A_35 = tpu.vector_load %arg5[%get3A_33, %get3A_34] {strides = array<i32>} : memref<4x128xi32, #tpu.memory_space<vmem>>, vector<1x16xi32>,
      %get3A_36 = vector.shape_cast %get3A_35 : vector<1x16xi32> to vector<16xi32>
      %add3A_37 = arith.addi %get3A_36, %broadcast_in_dim3A : vector<16xi32>
      %swap3A_38 = arith.constant 0 : i32
      %swap3A_39 = arith.index_cast %swap3A_38 : i32 to index
      %swap3A_40 = arith.constant 32 : index
      %swap3A_41 = tpu.vector_load %arg5[%swap3A_39, %swap3A_40] {strides = array<i32>} : memref<4x128xi32, #tpu.memory_space<vmem>>, vector<1x16xi32>,
      %swap3A_42 = vector.shape_cast %swap3A_41 : vector<1x16xi32> to vector<16xi32>
      %swap3A_43 = vector.shape_cast %add3A_37 : vector<16xi32> to vector<1x16xi32>
      tpu.vector_store %arg5[%swap3A_39, %swap3A_40], %swap3A_43 {strides = array<i32>} : memref<4x128xi32, #tpu.memory_space<vmem>>, vector<1x16xi32>,
      %get3A_44 = arith.constant 0 : i32
      %get3A_45 = arith.index_cast %get3A_44 : i32 to index
      %get3A_46 = arith.constant 48 : index
      %get3A_47 = tpu.vector_load %arg5[%get3A_45, %get3A_46] {strides = array<i32>} : memref<4x128xi32, #tpu.memory_space<vmem>>, vector<1x16xi32>,
      %get3A_48 = vector.shape_cast %get3A_47 : vector<1x16xi32> to vector<16xi32>
      %add3A_49 = arith.addi %get3A_48, %broadcast_in_dim3A : vector<16xi32>
      %swap3A_50 = arith.constant 0 : i32
      %swap3A_51 = arith.index_cast %swap3A_50 : i32 to index
      %swap3A_52 = arith.constant 48 : index
      %swap3A_53 = tpu.vector_load %arg5[%swap3A_51, %swap3A_52] {strides = array<i32>} : memref<4x128xi32, #tpu.memory_space<vmem>>, vector<1x16xi32>,
      %swap3A_54 = vector.shape_cast %swap3A_53 : vector<1x16xi32> to vector<16xi32>
      %swap3A_55 = vector.shape_cast %add3A_49 : vector<16xi32> to vector<1x16xi32>
      tpu.vector_store %arg5[%swap3A_51, %swap3A_52], %swap3A_55 {strides = array<i32>} : memref<4x128xi32, #tpu.memory_space<vmem>>, vector<1x16xi32>,
      %get3A_56 = arith.constant 0 : i32
      %get3A_57 = arith.index_cast %get3A_56 : i32 to index
      %get3A_58 = arith.constant 64 : index
      %get3A_59 = tpu.vector_load %arg5[%get3A_57, %get3A_58] {strides = array<i32>} : memref<4x128xi32, #tpu.memory_space<vmem>>, vector<1x16xi32>,
      %get3A_60 = vector.shape_cast %get3A_59 : vector<1x16xi32> to vector<16xi32>
      %add3A_61 = arith.addi %get3A_60, %broadcast_in_dim3A : vector<16xi32>
      %swap3A_62 = arith.constant 0 : i32
      %swap3A_63 = arith.index_cast %swap3A_62 : i32 to index
      %swap3A_64 = arith.constant 64 : index
      %swap3A_65 = tpu.vector_load %arg5[%swap3A_63, %swap3A_64] {strides = array<i32>} : memref<4x128xi32, #tpu.memory_space<vmem>>, vector<1x16xi32>,
      %swap3A_66 = vector.shape_cast %swap3A_65 : vector<1x16xi32> to vector<16xi32>
      %swap3A_67 = vector.shape_cast %add3A_61 : vector<16xi32> to vector<1x16xi32>
      tpu.vector_store %arg5[%swap3A_63, %swap3A_64], %swap3A_67 {strides = array<i32>} : memref<4x128xi32, #tpu.memory_space<vmem>>, vector<1x16xi32>,
      %get3A_68 = arith.constant 0 : i32
      %get3A_69 = arith.index_cast %get3A_68 : i32 to index
      %get3A_70 = arith.constant 80 : index
      %get3A_71 = tpu.vector_load %arg5[%get3A_69, %get3A_70] {strides = array<i32>} : memref<4x128xi32, #tpu.memory_space<vmem>>, vector<1x16xi32>,
      %get3A_72 = vector.shape_cast %get3A_71 : vector<1x16xi32> to vector<16xi32>
      %add3A_73 = arith.addi %get3A_72, %broadcast_in_dim3A : vector<16xi32>
      %swap3A_74 = arith.constant 0 : i32
      %swap3A_75 = arith.index_cast %swap3A_74 : i32 to index
      %swap3A_76 = arith.constant 80 : index
      %swap3A_77 = tpu.vector_load %arg5[%swap3A_75, %swap3A_76] {strides = array<i32>} : memref<4x128xi32, #tpu.memory_space<vmem>>, vector<1x16xi32>,
      %swap3A_78 = vector.shape_cast %swap3A_77 : vector<1x16xi32> to vector<16xi32>
      %swap3A_79 = vector.shape_cast %add3A_73 : vector<16xi32> to vector<1x16xi32>
      tpu.vector_store %arg5[%swap3A_75, %swap3A_76], %swap3A_79 {strides = array<i32>} : memref<4x128xi32, #tpu.memory_space<vmem>>, vector<1x16xi32>,
      %get3A_80 = arith.constant 0 : i32
      %get3A_81 = arith.index_cast %get3A_80 : i32 to index
      %get3A_82 = arith.constant 96 : index
      %get3A_83 = tpu.vector_load %arg5[%get3A_81, %get3A_82] {strides = array<i32>} : memref<4x128xi32, #tpu.memory_space<vmem>>, vector<1x16xi32>,
      %get3A_84 = vector.shape_cast %get3A_83 : vector<1x16xi32> to vector<16xi32>
      %add3A_85 = arith.addi %get3A_84, %broadcast_in_dim3A : vector<16xi32>
      %swap3A_86 = arith.constant 0 : i32
      %swap3A_87 = arith.index_cast %swap3A_86 : i32 to index
      %swap3A_88 = arith.constant 96 : index
      %swap3A_89 = tpu.vector_load %arg5[%swap3A_87, %swap3A_88] {strides = array<i32>} : memref<4x128xi32, #tpu.memory_space<vmem>>, vector<1x16xi32>,
      %swap3A_90 = vector.shape_cast %swap3A_89 : vector<1x16xi32> to vector<16xi32>
      %swap3A_91 = vector.shape_cast %add3A_85 : vector<16xi32> to vector<1x16xi32>
      tpu.vector_store %arg5[%swap3A_87, %swap3A_88], %swap3A_91 {strides = array<i32>} : memref<4x128xi32, #tpu.memory_space<vmem>>, vector<1x16xi32>,
      %get3A_92 = arith.constant 0 : i32
      %get3A_93 = arith.index_cast %get3A_92 : i32 to index
      %get3A_94 = arith.constant 112 : index
      %get3A_95 = tpu.vector_load %arg5[%get3A_93, %get3A_94] {strides = array<i32>} : memref<4x128xi32, #tpu.memory_space<vmem>>, vector<1x16xi32>,
      %get3A_96 = vector.shape_cast %get3A_95 : vector<1x16xi32> to vector<16xi32>
      %add3A_97 = arith.addi %get3A_96, %broadcast_in_dim3A : vector<16xi32>
      %swap3A_98 = arith.constant 0 : i32
      %swap3A_99 = arith.index_cast %swap3A_98 : i32 to index
      %swap3A_100 = arith.constant 112 : index
      %swap3A_101 = tpu.vector_load %arg5[%swap3A_99, %swap3A_100] {strides = array<i32>} : memref<4x128xi32, #tpu.memory_space<vmem>>, vector<1x16xi32>,
      %swap3A_102 = vector.shape_cast %swap3A_101 : vector<1x16xi32> to vector<16xi32>
      %swap3A_103 = vector.shape_cast %add3A_97 : vector<16xi32> to vector<1x16xi32>
      tpu.vector_store %arg5[%swap3A_99, %swap3A_100], %swap3A_103 {strides = array<i32>} : memref<4x128xi32, #tpu.memory_space<vmem>>, vector<1x16xi32>,
      %get3A_104 = arith.constant 1 : i32
      %get3A_105 = arith.index_cast %get3A_104 : i32 to index
      %get3A_106 = arith.constant 0 : index
      %get3A_107 = tpu.vector_load %arg5[%get3A_105, %get3A_106] {strides = array<i32>} : memref<4x128xi32, #tpu.memory_space<vmem>>, vector<1x16xi32>,
      %get3A_108 = vector.shape_cast %get3A_107 : vector<1x16xi32> to vector<16xi32>
      %add3A_109 = arith.addi %get3A_108, %broadcast_in_dim3A : vector<16xi32>
      %swap3A_110 = arith.constant 1 : i32
      %swap3A_111 = arith.index_cast %swap3A_110 : i32 to index
      %swap3A_112 = arith.constant 0 : index
      %swap3A_113 = tpu.vector_load %arg5[%swap3A_111, %swap3A_112] {strides = array<i32>} : memref<4x128xi32, #tpu.memory_space<vmem>>, vector<1x16xi32>,
      %swap3A_114 = vector.shape_cast %swap3A_113 : vector<1x16xi32> to vector<16xi32>
      %swap3A_115 = vector.shape_cast %add3A_109 : vector<16xi32> to vector<1x16xi32>
      tpu.vector_store %arg5[%swap3A_111, %swap3A_112], %swap3A_115 {strides = array<i32>} : memref<4x128xi32, #tpu.memory_space<vmem>>, vector<1x16xi32>,
      %get3A_116 = arith.constant 1 : i32
      %get3A_117 = arith.index_cast %get3A_116 : i32 to index
      %get3A_118 = arith.constant 16 : index
      %get3A_119 = tpu.vector_load %arg5[%get3A_117, %get3A_118] {strides = array<i32>} : memref<4x128xi32, #tpu.memory_space<vmem>>, vector<1x16xi32>,
      %get3A_120 = vector.shape_cast %get3A_119 : vector<1x16xi32> to vector<16xi32>
      %add3A_121 = arith.addi %get3A_120, %broadcast_in_dim3A : vector<16xi32>
      %swap3A_122 = arith.constant 1 : i32
      %swap3A_123 = arith.index_cast %swap3A_122 : i32 to index
      %swap3A_124 = arith.constant 16 : index
      %swap3A_125 = tpu.vector_load %arg5[%swap3A_123, %swap3A_124] {strides = array<i32>} : memref<4x128xi32, #tpu.memory_space<vmem>>, vector<1x16xi32>,
      %swap3A_126 = vector.shape_cast %swap3A_125 : vector<1x16xi32> to vector<16xi32>
      %swap3A_127 = vector.shape_cast %add3A_121 : vector<16xi32> to vector<1x16xi32>
      tpu.vector_store %arg5[%swap3A_123, %swap3A_124], %swap3A_127 {strides = array<i32>} : memref<4x128xi32, #tpu.memory_space<vmem>>, vector<1x16xi32>,
      %get3A_128 = arith.constant 1 : i32
      %get3A_129 = arith.index_cast %get3A_128 : i32 to index
      %get3A_130 = arith.constant 32 : index
      %get3A_131 = tpu.vector_load %arg5[%get3A_129, %get3A_130] {strides = array<i32>} : memref<4x128xi32, #tpu.memory_space<vmem>>, vector<1x16xi32>,
      %get3A_132 = vector.shape_cast %get3A_131 : vector<1x16xi32> to vector<16xi32>
      %add3A_133 = arith.addi %get3A_132, %broadcast_in_dim3A : vector<16xi32>
      %swap3A_134 = arith.constant 1 : i32
      %swap3A_135 = arith.index_cast %swap3A_134 : i32 to index
      %swap3A_136 = arith.constant 32 : index
      %swap3A_137 = tpu.vector_load %arg5[%swap3A_135, %swap3A_136] {strides = array<i32>} : memref<4x128xi32, #tpu.memory_space<vmem>>, vector<1x16xi32>,
      %swap3A_138 = vector.shape_cast %swap3A_137 : vector<1x16xi32> to vector<16xi32>
      %swap3A_139 = vector.shape_cast %add3A_133 : vector<16xi32> to vector<1x16xi32>
      tpu.vector_store %arg5[%swap3A_135, %swap3A_136], %swap3A_139 {strides = array<i32>} : memref<4x128xi32, #tpu.memory_space<vmem>>, vector<1x16xi32>,
      %get3A_140 = arith.constant 1 : i32
      %get3A_141 = arith.index_cast %get3A_140 : i32 to index
      %get3A_142 = arith.constant 48 : index
      %get3A_143 = tpu.vector_load %arg5[%get3A_141, %get3A_142] {strides = array<i32>} : memref<4x128xi32, #tpu.memory_space<vmem>>, vector<1x16xi32>,
      %get3A_144 = vector.shape_cast %get3A_143 : vector<1x16xi32> to vector<16xi32>
      %add3A_145 = arith.addi %get3A_144, %broadcast_in_dim3A : vector<16xi32>
      %swap3A_146 = arith.constant 1 : i32
      %swap3A_147 = arith.index_cast %swap3A_146 : i32 to index
      %swap3A_148 = arith.constant 48 : index
      %swap3A_149 = tpu.vector_load %arg5[%swap3A_147, %swap3A_148] {strides = array<i32>} : memref<4x128xi32, #tpu.memory_space<vmem>>, vector<1x16xi32>,
      %swap3A_150 = vector.shape_cast %swap3A_149 : vector<1x16xi32> to vector<16xi32>
      %swap3A_151 = vector.shape_cast %add3A_145 : vector<16xi32> to vector<1x16xi32>
      tpu.vector_store %arg5[%swap3A_147, %swap3A_148], %swap3A_151 {strides = array<i32>} : memref<4x128xi32, #tpu.memory_space<vmem>>, vector<1x16xi32>,
      %get3A_152 = arith.constant 1 : i32
      %get3A_153 = arith.index_cast %get3A_152 : i32 to index
      %get3A_154 = arith.constant 64 : index
      %get3A_155 = tpu.vector_load %arg5[%get3A_153, %get3A_154] {strides = array<i32>} : memref<4x128xi32, #tpu.memory_space<vmem>>, vector<1x16xi32>,
      %get3A_156 = vector.shape_cast %get3A_155 : vector<1x16xi32> to vector<16xi32>
      %add3A_157 = arith.addi %get3A_156, %broadcast_in_dim3A : vector<16xi32>
      %swap3A_158 = arith.constant 1 : i32
      %swap3A_159 = arith.index_cast %swap3A_158 : i32 to index
      %swap3A_160 = arith.constant 64 : index
      %swap3A_161 = tpu.vector_load %arg5[%swap3A_159, %swap3A_160] {strides = array<i32>} : memref<4x128xi32, #tpu.memory_space<vmem>>, vector<1x16xi32>,
      %swap3A_162 = vector.shape_cast %swap3A_161 : vector<1x16xi32> to vector<16xi32>
      %swap3A_163 = vector.shape_cast %add3A_157 : vector<16xi32> to vector<1x16xi32>
      tpu.vector_store %arg5[%swap3A_159, %swap3A_160], %swap3A_163 {strides = array<i32>} : memref<4x128xi32, #tpu.memory_space<vmem>>, vector<1x16xi32>,
      %get3A_164 = arith.constant 1 : i32
      %get3A_165 = arith.index_cast %get3A_164 : i32 to index
      %get3A_166 = arith.constant 80 : index
      %get3A_167 = tpu.vector_load %arg5[%get3A_165, %get3A_166] {strides = array<i32>} : memref<4x128xi32, #tpu.memory_space<vmem>>, vector<1x16xi32>,
      %get3A_168 = vector.shape_cast %get3A_167 : vector<1x16xi32> to vector<16xi32>
      %add3A_169 = arith.addi %get3A_168, %broadcast_in_dim3A : vector<16xi32>
      %swap3A_170 = arith.constant 1 : i32
      %swap3A_171 = arith.index_cast %swap3A_170 : i32 to index
      %swap3A_172 = arith.constant 80 : index
      %swap3A_173 = tpu.vector_load %arg5[%swap3A_171, %swap3A_172] {strides = array<i32>} : memref<4x128xi32, #tpu.memory_space<vmem>>, vector<1x16xi32>,
      %swap3A_174 = vector.shape_cast %swap3A_173 : vector<1x16xi32> to vector<16xi32>
      %swap3A_175 = vector.shape_cast %add3A_169 : vector<16xi32> to vector<1x16xi32>
      tpu.vector_store %arg5[%swap3A_171, %swap3A_172], %swap3A_175 {strides = array<i32>} : memref<4x128xi32, #tpu.memory_space<vmem>>, vector<1x16xi32>,
      %get3A_176 = arith.constant 1 : i32
      %get3A_177 = arith.index_cast %get3A_176 : i32 to index
      %get3A_178 = arith.constant 96 : index
      %get3A_179 = tpu.vector_load %arg5[%get3A_177, %get3A_178] {strides = array<i32>} : memref<4x128xi32, #tpu.memory_space<vmem>>, vector<1x16xi32>,
      %get3A_180 = vector.shape_cast %get3A_179 : vector<1x16xi32> to vector<16xi32>
      %add3A_181 = arith.addi %get3A_180, %broadcast_in_dim3A : vector<16xi32>
      %swap3A_182 = arith.constant 1 : i32
      %swap3A_183 = arith.index_cast %swap3A_182 : i32 to index
      %swap3A_184 = arith.constant 96 : index
      %swap3A_185 = tpu.vector_load %arg5[%swap3A_183, %swap3A_184] {strides = array<i32>} : memref<4x128xi32, #tpu.memory_space<vmem>>, vector<1x16xi32>,
      %swap3A_186 = vector.shape_cast %swap3A_185 : vector<1x16xi32> to vector<16xi32>
      %swap3A_187 = vector.shape_cast %add3A_181 : vector<16xi32> to vector<1x16xi32>
      tpu.vector_store %arg5[%swap3A_183, %swap3A_184], %swap3A_187 {strides = array<i32>} : memref<4x128xi32, #tpu.memory_space<vmem>>, vector<1x16xi32>,
      %get3A_188 = arith.constant 1 : i32
      %get3A_189 = arith.index_cast %get3A_188 : i32 to index
      %get3A_190 = arith.constant 112 : index
      %get3A_191 = tpu.vector_load %arg5[%get3A_189, %get3A_190] {strides = array<i32>} : memref<4x128xi32, #tpu.memory_space<vmem>>, vector<1x16xi32>,
      %get3A_192 = vector.shape_cast %get3A_191 : vector<1x16xi32> to vector<16xi32>
      %add3A_193 = arith.addi %get3A_192, %broadcast_in_dim3A : vector<16xi32>
      %swap3A_194 = arith.constant 1 : i32
      %swap3A_195 = arith.index_cast %swap3A_194 : i32 to index
      %swap3A_196 = arith.constant 112 : index
      %swap3A_197 = tpu.vector_load %arg5[%swap3A_195, %swap3A_196] {strides = array<i32>} : memref<4x128xi32, #tpu.memory_space<vmem>>, vector<1x16xi32>,
      %swap3A_198 = vector.shape_cast %swap3A_197 : vector<1x16xi32> to vector<16xi32>
      %swap3A_199 = vector.shape_cast %add3A_193 : vector<16xi32> to vector<1x16xi32>
      tpu.vector_store %arg5[%swap3A_195, %swap3A_196], %swap3A_199 {strides = array<i32>} : memref<4x128xi32, #tpu.memory_space<vmem>>, vector<1x16xi32>,
      %get3A_200 = arith.constant 2 : i32
      %get3A_201 = arith.index_cast %get3A_200 : i32 to index
      %get3A_202 = arith.constant 0 : index
      %get3A_203 = tpu.vector_load %arg5[%get3A_201, %get3A_202] {strides = array<i32>} : memref<4x128xi32, #tpu.memory_space<vmem>>, vector<1x16xi32>,
      %get3A_204 = vector.shape_cast %get3A_203 : vector<1x16xi32> to vector<16xi32>
      %add3A_205 = arith.addi %get3A_204, %broadcast_in_dim3A : vector<16xi32>
      %swap3A_206 = arith.constant 2 : i32
      %swap3A_207 = arith.index_cast %swap3A_206 : i32 to index
      %swap3A_208 = arith.constant 0 : index
      %swap3A_209 = tpu.vector_load %arg5[%swap3A_207, %swap3A_208] {strides = array<i32>} : memref<4x128xi32, #tpu.memory_space<vmem>>, vector<1x16xi32>,
      %swap3A_210 = vector.shape_cast %swap3A_209 : vector<1x16xi32> to vector<16xi32>
      %swap3A_211 = vector.shape_cast %add3A_205 : vector<16xi32> to vector<1x16xi32>
      tpu.vector_store %arg5[%swap3A_207, %swap3A_208], %swap3A_211 {strides = array<i32>} : memref<4x128xi32, #tpu.memory_space<vmem>>, vector<1x16xi32>,
      %get3A_212 = arith.constant 2 : i32
      %get3A_213 = arith.index_cast %get3A_212 : i32 to index
      %get3A_214 = arith.constant 16 : index
      %get3A_215 = tpu.vector_load %arg5[%get3A_213, %get3A_214] {strides = array<i32>} : memref<4x128xi32, #tpu.memory_space<vmem>>, vector<1x16xi32>,
      %get3A_216 = vector.shape_cast %get3A_215 : vector<1x16xi32> to vector<16xi32>
      %add3A_217 = arith.addi %get3A_216, %broadcast_in_dim3A : vector<16xi32>
      %swap3A_218 = arith.constant 2 : i32
      %swap3A_219 = arith.index_cast %swap3A_218 : i32 to index
      %swap3A_220 = arith.constant 16 : index
      %swap3A_221 = tpu.vector_load %arg5[%swap3A_219, %swap3A_220] {strides = array<i32>} : memref<4x128xi32, #tpu.memory_space<vmem>>, vector<1x16xi32>,
      %swap3A_222 = vector.shape_cast %swap3A_221 : vector<1x16xi32> to vector<16xi32>
      %swap3A_223 = vector.shape_cast %add3A_217 : vector<16xi32> to vector<1x16xi32>
      tpu.vector_store %arg5[%swap3A_219, %swap3A_220], %swap3A_223 {strides = array<i32>} : memref<4x128xi32, #tpu.memory_space<vmem>>, vector<1x16xi32>,
      %get3A_224 = arith.constant 2 : i32
      %get3A_225 = arith.index_cast %get3A_224 : i32 to index
      %get3A_226 = arith.constant 32 : index
      %get3A_227 = tpu.vector_load %arg5[%get3A_225, %get3A_226] {strides = array<i32>} : memref<4x128xi32, #tpu.memory_space<vmem>>, vector<1x16xi32>,
      %get3A_228 = vector.shape_cast %get3A_227 : vector<1x16xi32> to vector<16xi32>
      %add3A_229 = arith.addi %get3A_228, %broadcast_in_dim3A : vector<16xi32>
      %swap3A_230 = arith.constant 2 : i32
      %swap3A_231 = arith.index_cast %swap3A_230 : i32 to index
      %swap3A_232 = arith.constant 32 : index
      %swap3A_233 = tpu.vector_load %arg5[%swap3A_231, %swap3A_232] {strides = array<i32>} : memref<4x128xi32, #tpu.memory_space<vmem>>, vector<1x16xi32>,
      %swap3A_234 = vector.shape_cast %swap3A_233 : vector<1x16xi32> to vector<16xi32>
      %swap3A_235 = vector.shape_cast %add3A_229 : vector<16xi32> to vector<1x16xi32>
      tpu.vector_store %arg5[%swap3A_231, %swap3A_232], %swap3A_235 {strides = array<i32>} : memref<4x128xi32, #tpu.memory_space<vmem>>, vector<1x16xi32>,
      %get3A_236 = arith.constant 2 : i32
      %get3A_237 = arith.index_cast %get3A_236 : i32 to index
      %get3A_238 = arith.constant 48 : index
      %get3A_239 = tpu.vector_load %arg5[%get3A_237, %get3A_238] {strides = array<i32>} : memref<4x128xi32, #tpu.memory_space<vmem>>, vector<1x16xi32>,
      %get3A_240 = vector.shape_cast %get3A_239 : vector<1x16xi32> to vector<16xi32>
      %add3A_241 = arith.addi %get3A_240, %broadcast_in_dim3A : vector<16xi32>
      %swap3A_242 = arith.constant 2 : i32
      %swap3A_243 = arith.index_cast %swap3A_242 : i32 to index
      %swap3A_244 = arith.constant 48 : index
      %swap3A_245 = tpu.vector_load %arg5[%swap3A_243, %swap3A_244] {strides = array<i32>} : memref<4x128xi32, #tpu.memory_space<vmem>>, vector<1x16xi32>,
      %swap3A_246 = vector.shape_cast %swap3A_245 : vector<1x16xi32> to vector<16xi32>
      %swap3A_247 = vector.shape_cast %add3A_241 : vector<16xi32> to vector<1x16xi32>
      tpu.vector_store %arg5[%swap3A_243, %swap3A_244], %swap3A_247 {strides = array<i32>} : memref<4x128xi32, #tpu.memory_space<vmem>>, vector<1x16xi32>,
      %get3A_248 = arith.constant 2 : i32
      %get3A_249 = arith.index_cast %get3A_248 : i32 to index
      %get3A_250 = arith.constant 64 : index
      %get3A_251 = tpu.vector_load %arg5[%get3A_249, %get3A_250] {strides = array<i32>} : memref<4x128xi32, #tpu.memory_space<vmem>>, vector<1x16xi32>,
      %get3A_252 = vector.shape_cast %get3A_251 : vector<1x16xi32> to vector<16xi32>
      %add3A_253 = arith.addi %get3A_252, %broadcast_in_dim3A : vector<16xi32>
      %swap3A_254 = arith.constant 2 : i32
      %swap3A_255 = arith.index_cast %swap3A_254 : i32 to index
      %swap3A_256 = arith.constant 64 : index
      %swap3A_257 = tpu.vector_load %arg5[%swap3A_255, %swap3A_256] {strides = array<i32>} : memref<4x128xi32, #tpu.memory_space<vmem>>, vector<1x16xi32>,
      %swap3A_258 = vector.shape_cast %swap3A_257 : vector<1x16xi32> to vector<16xi32>
      %swap3A_259 = vector.shape_cast %add3A_253 : vector<16xi32> to vector<1x16xi32>
      tpu.vector_store %arg5[%swap3A_255, %swap3A_256], %swap3A_259 {strides = array<i32>} : memref<4x128xi32, #tpu.memory_space<vmem>>, vector<1x16xi32>,
      %get3A_260 = arith.constant 2 : i32
      %get3A_261 = arith.index_cast %get3A_260 : i32 to index
      %get3A_262 = arith.constant 80 : index
      %get3A_263 = tpu.vector_load %arg5[%get3A_261, %get3A_262] {strides = array<i32>} : memref<4x128xi32, #tpu.memory_space<vmem>>, vector<1x16xi32>,
      %get3A_264 = vector.shape_cast %get3A_263 : vector<1x16xi32> to vector<16xi32>
      %add3A_265 = arith.addi %get3A_264, %broadcast_in_dim3A : vector<16xi32>
      %swap3A_266 = arith.constant 2 : i32
      %swap3A_267 = arith.index_cast %swap3A_266 : i32 to index
      %swap3A_268 = arith.constant 80 : index
      %swap3A_269 = tpu.vector_load %arg5[%swap3A_267, %swap3A_268] {strides = array<i32>} : memref<4x128xi32, #tpu.memory_space<vmem>>, vector<1x16xi32>,
      %swap3A_270 = vector.shape_cast %swap3A_269 : vector<1x16xi32> to vector<16xi32>
      %swap3A_271 = vector.shape_cast %add3A_265 : vector<16xi32> to vector<1x16xi32>
      tpu.vector_store %arg5[%swap3A_267, %swap3A_268], %swap3A_271 {strides = array<i32>} : memref<4x128xi32, #tpu.memory_space<vmem>>, vector<1x16xi32>,
      %get3A_272 = arith.constant 2 : i32
      %get3A_273 = arith.index_cast %get3A_272 : i32 to index
      %get3A_274 = arith.constant 96 : index
      %get3A_275 = tpu.vector_load %arg5[%get3A_273, %get3A_274] {strides = array<i32>} : memref<4x128xi32, #tpu.memory_space<vmem>>, vector<1x16xi32>,
      %get3A_276 = vector.shape_cast %get3A_275 : vector<1x16xi32> to vector<16xi32>
      %add3A_277 = arith.addi %get3A_276, %broadcast_in_dim3A : vector<16xi32>
      %swap3A_278 = arith.constant 2 : i32
      %swap3A_279 = arith.index_cast %swap3A_278 : i32 to index
      %swap3A_280 = arith.constant 96 : index
      %swap3A_281 = tpu.vector_load %arg5[%swap3A_279, %swap3A_280] {strides = array<i32>} : memref<4x128xi32, #tpu.memory_space<vmem>>, vector<1x16xi32>,
      %swap3A_282 = vector.shape_cast %swap3A_281 : vector<1x16xi32> to vector<16xi32>
      %swap3A_283 = vector.shape_cast %add3A_277 : vector<16xi32> to vector<1x16xi32>
      tpu.vector_store %arg5[%swap3A_279, %swap3A_280], %swap3A_283 {strides = array<i32>} : memref<4x128xi32, #tpu.memory_space<vmem>>, vector<1x16xi32>,
      %get3A_284 = arith.constant 2 : i32
      %get3A_285 = arith.index_cast %get3A_284 : i32 to index
      %get3A_286 = arith.constant 112 : index
      %get3A_287 = tpu.vector_load %arg5[%get3A_285, %get3A_286] {strides = array<i32>} : memref<4x128xi32, #tpu.memory_space<vmem>>, vector<1x16xi32>,
      %get3A_288 = vector.shape_cast %get3A_287 : vector<1x16xi32> to vector<16xi32>
      %add3A_289 = arith.addi %get3A_288, %broadcast_in_dim3A : vector<16xi32>
      %swap3A_290 = arith.constant 2 : i32
      %swap3A_291 = arith.index_cast %swap3A_290 : i32 to index
      %swap3A_292 = arith.constant 112 : index
      %swap3A_293 = tpu.vector_load %arg5[%swap3A_291, %swap3A_292] {strides = array<i32>} : memref<4x128xi32, #tpu.memory_space<vmem>>, vector<1x16xi32>,
      %swap3A_294 = vector.shape_cast %swap3A_293 : vector<1x16xi32> to vector<16xi32>
      %swap3A_295 = vector.shape_cast %add3A_289 : vector<16xi32> to vector<1x16xi32>
      tpu.vector_store %arg5[%swap3A_291, %swap3A_292], %swap3A_295 {strides = array<i32>} : memref<4x128xi32, #tpu.memory_space<vmem>>, vector<1x16xi32>,
      %get3A_296 = arith.constant 3 : i32
      %get3A_297 = arith.index_cast %get3A_296 : i32 to index
      %get3A_298 = arith.constant 0 : index
      %get3A_299 = tpu.vector_load %arg5[%get3A_297, %get3A_298] {strides = array<i32>} : memref<4x128xi32, #tpu.memory_space<vmem>>, vector<1x16xi32>,
      %get3A_300 = vector.shape_cast %get3A_299 : vector<1x16xi32> to vector<16xi32>
      %add3A_301 = arith.addi %get3A_300, %broadcast_in_dim3A : vector<16xi32>
      %swap3A_302 = arith.constant 3 : i32
      %swap3A_303 = arith.index_cast %swap3A_302 : i32 to index
      %swap3A_304 = arith.constant 0 : index
      %swap3A_305 = tpu.vector_load %arg5[%swap3A_303, %swap3A_304] {strides = array<i32>} : memref<4x128xi32, #tpu.memory_space<vmem>>, vector<1x16xi32>,
      %swap3A_306 = vector.shape_cast %swap3A_305 : vector<1x16xi32> to vector<16xi32>
      %swap3A_307 = vector.shape_cast %add3A_301 : vector<16xi32> to vector<1x16xi32>
      tpu.vector_store %arg5[%swap3A_303, %swap3A_304], %swap3A_307 {strides = array<i32>} : memref<4x128xi32, #tpu.memory_space<vmem>>, vector<1x16xi32>,
      %get3A_308 = arith.constant 3 : i32
      %get3A_309 = arith.index_cast %get3A_308 : i32 to index
      %get3A_310 = arith.constant 16 : index
      %get3A_311 = tpu.vector_load %arg5[%get3A_309, %get3A_310] {strides = array<i32>} : memref<4x128xi32, #tpu.memory_space<vmem>>, vector<1x16xi32>,
      %get3A_312 = vector.shape_cast %get3A_311 : vector<1x16xi32> to vector<16xi32>
      %add3A_313 = arith.addi %get3A_312, %broadcast_in_dim3A : vector<16xi32>
      %swap3A_314 = arith.constant 3 : i32
      %swap3A_315 = arith.index_cast %swap3A_314 : i32 to index
      %swap3A_316 = arith.constant 16 : index
      %swap3A_317 = tpu.vector_load %arg5[%swap3A_315, %swap3A_316] {strides = array<i32>} : memref<4x128xi32, #tpu.memory_space<vmem>>, vector<1x16xi32>,
      %swap3A_318 = vector.shape_cast %swap3A_317 : vector<1x16xi32> to vector<16xi32>
      %swap3A_319 = vector.shape_cast %add3A_313 : vector<16xi32> to vector<1x16xi32>
      tpu.vector_store %arg5[%swap3A_315, %swap3A_316], %swap3A_319 {strides = array<i32>} : memref<4x128xi32, #tpu.memory_space<vmem>>, vector<1x16xi32>,
      %get3A_320 = arith.constant 3 : i32
      %get3A_321 = arith.index_cast %get3A_320 : i32 to index
      %get3A_322 = arith.constant 32 : index
      %get3A_323 = tpu.vector_load %arg5[%get3A_321, %get3A_322] {strides = array<i32>} : memref<4x128xi32, #tpu.memory_space<vmem>>, vector<1x16xi32>,
      %get3A_324 = vector.shape_cast %get3A_323 : vector<1x16xi32> to vector<16xi32>
      %add3A_325 = arith.addi %get3A_324, %broadcast_in_dim3A : vector<16xi32>
      %swap3A_326 = arith.constant 3 : i32
      %swap3A_327 = arith.index_cast %swap3A_326 : i32 to index
      %swap3A_328 = arith.constant 32 : index
      %swap3A_329 = tpu.vector_load %arg5[%swap3A_327, %swap3A_328] {strides = array<i32>} : memref<4x128xi32, #tpu.memory_space<vmem>>, vector<1x16xi32>,
      %swap3A_330 = vector.shape_cast %swap3A_329 : vector<1x16xi32> to vector<16xi32>
      %swap3A_331 = vector.shape_cast %add3A_325 : vector<16xi32> to vector<1x16xi32>
      tpu.vector_store %arg5[%swap3A_327, %swap3A_328], %swap3A_331 {strides = array<i32>} : memref<4x128xi32, #tpu.memory_space<vmem>>, vector<1x16xi32>,
      %get3A_332 = arith.constant 3 : i32
      %get3A_333 = arith.index_cast %get3A_332 : i32 to index
      %get3A_334 = arith.constant 48 : index
      %get3A_335 = tpu.vector_load %arg5[%get3A_333, %get3A_334] {strides = array<i32>} : memref<4x128xi32, #tpu.memory_space<vmem>>, vector<1x16xi32>,
      %get3A_336 = vector.shape_cast %get3A_335 : vector<1x16xi32> to vector<16xi32>
      %add3A_337 = arith.addi %get3A_336, %broadcast_in_dim3A : vector<16xi32>
      %swap3A_338 = arith.constant 3 : i32
      %swap3A_339 = arith.index_cast %swap3A_338 : i32 to index
      %swap3A_340 = arith.constant 48 : index
      %swap3A_341 = tpu.vector_load %arg5[%swap3A_339, %swap3A_340] {strides = array<i32>} : memref<4x128xi32, #tpu.memory_space<vmem>>, vector<1x16xi32>,
      %swap3A_342 = vector.shape_cast %swap3A_341 : vector<1x16xi32> to vector<16xi32>
      %swap3A_343 = vector.shape_cast %add3A_337 : vector<16xi32> to vector<1x16xi32>
      tpu.vector_store %arg5[%swap3A_339, %swap3A_340], %swap3A_343 {strides = array<i32>} : memref<4x128xi32, #tpu.memory_space<vmem>>, vector<1x16xi32>,
      %get3A_344 = arith.constant 3 : i32
      %get3A_345 = arith.index_cast %get3A_344 : i32 to index
      %get3A_346 = arith.constant 64 : index
      %get3A_347 = tpu.vector_load %arg5[%get3A_345, %get3A_346] {strides = array<i32>} : memref<4x128xi32, #tpu.memory_space<vmem>>, vector<1x16xi32>,
      %get3A_348 = vector.shape_cast %get3A_347 : vector<1x16xi32> to vector<16xi32>
      %add3A_349 = arith.addi %get3A_348, %broadcast_in_dim3A : vector<16xi32>
      %swap3A_350 = arith.constant 3 : i32
      %swap3A_351 = arith.index_cast %swap3A_350 : i32 to index
      %swap3A_352 = arith.constant 64 : index
      %swap3A_353 = tpu.vector_load %arg5[%swap3A_351, %swap3A_352] {strides = array<i32>} : memref<4x128xi32, #tpu.memory_space<vmem>>, vector<1x16xi32>,
      %swap3A_354 = vector.shape_cast %swap3A_353 : vector<1x16xi32> to vector<16xi32>
      %swap3A_355 = vector.shape_cast %add3A_349 : vector<16xi32> to vector<1x16xi32>
      tpu.vector_store %arg5[%swap3A_351, %swap3A_352], %swap3A_355 {strides = array<i32>} : memref<4x128xi32, #tpu.memory_space<vmem>>, vector<1x16xi32>,
      %get3A_356 = arith.constant 3 : i32
      %get3A_357 = arith.index_cast %get3A_356 : i32 to index
      %get3A_358 = arith.constant 80 : index
      %get3A_359 = tpu.vector_load %arg5[%get3A_357, %get3A_358] {strides = array<i32>} : memref<4x128xi32, #tpu.memory_space<vmem>>, vector<1x16xi32>,
      %get3A_360 = vector.shape_cast %get3A_359 : vector<1x16xi32> to vector<16xi32>
      %add3A_361 = arith.addi %get3A_360, %broadcast_in_dim3A : vector<16xi32>
      %swap3A_362 = arith.constant 3 : i32
      %swap3A_363 = arith.index_cast %swap3A_362 : i32 to index
      %swap3A_364 = arith.constant 80 : index
      %swap3A_365 = tpu.vector_load %arg5[%swap3A_363, %swap3A_364] {strides = array<i32>} : memref<4x128xi32, #tpu.memory_space<vmem>>, vector<1x16xi32>,
      %swap3A_366 = vector.shape_cast %swap3A_365 : vector<1x16xi32> to vector<16xi32>
      %swap3A_367 = vector.shape_cast %add3A_361 : vector<16xi32> to vector<1x16xi32>
      tpu.vector_store %arg5[%swap3A_363, %swap3A_364], %swap3A_367 {strides = array<i32>} : memref<4x128xi32, #tpu.memory_space<vmem>>, vector<1x16xi32>,
      %get3A_368 = arith.constant 3 : i32
      %get3A_369 = arith.index_cast %get3A_368 : i32 to index
      %get3A_370 = arith.constant 96 : index
      %get3A_371 = tpu.vector_load %arg5[%get3A_369, %get3A_370] {strides = array<i32>} : memref<4x128xi32, #tpu.memory_space<vmem>>, vector<1x16xi32>,
      %get3A_372 = vector.shape_cast %get3A_371 : vector<1x16xi32> to vector<16xi32>
      %add3A_373 = arith.addi %get3A_372, %broadcast_in_dim3A : vector<16xi32>
      %swap3A_374 = arith.constant 3 : i32
      %swap3A_375 = arith.index_cast %swap3A_374 : i32 to index
      %swap3A_376 = arith.constant 96 : index
      %swap3A_377 = tpu.vector_load %arg5[%swap3A_375, %swap3A_376] {strides = array<i32>} : memref<4x128xi32, #tpu.memory_space<vmem>>, vector<1x16xi32>,
      %swap3A_378 = vector.shape_cast %swap3A_377 : vector<1x16xi32> to vector<16xi32>
      %swap3A_379 = vector.shape_cast %add3A_373 : vector<16xi32> to vector<1x16xi32>
      tpu.vector_store %arg5[%swap3A_375, %swap3A_376], %swap3A_379 {strides = array<i32>} : memref<4x128xi32, #tpu.memory_space<vmem>>, vector<1x16xi32>,
      %get3A_380 = arith.constant 3 : i32
      %get3A_381 = arith.index_cast %get3A_380 : i32 to index
      %get3A_382 = arith.constant 112 : index
      %get3A_383 = tpu.vector_load %arg5[%get3A_381, %get3A_382] {strides = array<i32>} : memref<4x128xi32, #tpu.memory_space<vmem>>, vector<1x16xi32>,
      %get3A_384 = vector.shape_cast %get3A_383 : vector<1x16xi32> to vector<16xi32>
      %add3A_385 = arith.addi %get3A_384, %broadcast_in_dim3A : vector<16xi32>
      %swap3A_386 = arith.constant 3 : i32
      %swap3A_387 = arith.index_cast %swap3A_386 : i32 to index
      %swap3A_388 = arith.constant 112 : index
      %swap3A_389 = tpu.vector_load %arg5[%swap3A_387, %swap3A_388] {strides = array<i32>} : memref<4x128xi32, #tpu.memory_space<vmem>>, vector<1x16xi32>,
      %swap3A_390 = vector.shape_cast %swap3A_389 : vector<1x16xi32> to vector<16xi32>
      %swap3A_391 = vector.shape_cast %add3A_385 : vector<16xi32> to vector<1x16xi32>
      tpu.vector_store %arg5[%swap3A_387, %swap3A_388], %swap3A_391 {strides = array<i32>} : memref<4x128xi32, #tpu.memory_space<vmem>>, vector<1x16xi32>,
      %dma_start3A = arith.constant 0 : i32
      %dma_start3A_392 = arith.constant 0 : i32
      %dma_start3A_393 = arith.constant 0 : i32
      %dma_start3A_394 = tpu.memref_slice %arg6[%dma_start3A_392, %dma_start3A_393] : memref<512x32xf32, #tpu.memory_space<vmem>> -> memref<128x32xf32, #tpu.memory_space<vmem>>
      %dma_start3A_395 = arith.constant 0 : i32
      %dma_start3A_396 = tpu.memref_slice %arg5[%dma_start3A, %dma_start3A_395] : memref<4x128xi32, #tpu.memory_space<vmem>> -> memref<1x128xi32, #tpu.memory_space<vmem>>
      %dma_start3A_397 = tpu.memref_squeeze %dma_start3A_396 : memref<1x128xi32, #tpu.memory_space<vmem>> -> memref<128xi32, #tpu.memory_space<vmem>>
      %dma_start3A_398 = arith.constant 0 : i32
      %dma_start3A_399 = arith.constant 0 : i32
      %dma_start3A_400 = tpu.memref_slice %arg3[%dma_start3A_398, %dma_start3A_399] : memref<2600000x32xf32, #tpu.memory_space<hbm>> -> memref<2600000x32xf32, #tpu.memory_space<hbm>>
      tpu.enqueue_indirect_dma source(%dma_start3A_400 : memref<2600000x32xf32, #tpu.memory_space<hbm>>) target(%dma_start3A_394 : memref<128x32xf32, #tpu.memory_space<vmem>>) offsets(%dma_start3A_397 : memref<128xi32, #tpu.memory_space<vmem>>) semaphore(%arg7 : memref<!tpu.dma_semaphore, #tpu.memory_space<semaphore_mem>>)
      %dma_start3A_401 = arith.constant 1 : i32
      %dma_start3A_402 = arith.constant 128 : i32
      %dma_start3A_403 = arith.constant 0 : i32
      %dma_start3A_404 = tpu.memref_slice %arg6[%dma_start3A_402, %dma_start3A_403] : memref<512x32xf32, #tpu.memory_space<vmem>> -> memref<128x32xf32, #tpu.memory_space<vmem>>
      %dma_start3A_405 = arith.constant 0 : i32
      %dma_start3A_406 = tpu.memref_slice %arg5[%dma_start3A_401, %dma_start3A_405] : memref<4x128xi32, #tpu.memory_space<vmem>> -> memref<1x128xi32, #tpu.memory_space<vmem>>
      %dma_start3A_407 = tpu.memref_squeeze %dma_start3A_406 : memref<1x128xi32, #tpu.memory_space<vmem>> -> memref<128xi32, #tpu.memory_space<vmem>>
      %dma_start3A_408 = arith.constant 0 : i32
      %dma_start3A_409 = arith.constant 0 : i32
      %dma_start3A_410 = tpu.memref_slice %arg3[%dma_start3A_408, %dma_start3A_409] : memref<2600000x32xf32, #tpu.memory_space<hbm>> -> memref<2600000x32xf32, #tpu.memory_space<hbm>>
      tpu.enqueue_indirect_dma source(%dma_start3A_410 : memref<2600000x32xf32, #tpu.memory_space<hbm>>) target(%dma_start3A_404 : memref<128x32xf32, #tpu.memory_space<vmem>>) offsets(%dma_start3A_407 : memref<128xi32, #tpu.memory_space<vmem>>) semaphore(%arg7 : memref<!tpu.dma_semaphore, #tpu.memory_space<semaphore_mem>>)
      %dma_start3A_411 = arith.constant 2 : i32
      %dma_start3A_412 = arith.constant 256 : i32
      %dma_start3A_413 = arith.constant 0 : i32
      %dma_start3A_414 = tpu.memref_slice %arg6[%dma_start3A_412, %dma_start3A_413] : memref<512x32xf32, #tpu.memory_space<vmem>> -> memref<128x32xf32, #tpu.memory_space<vmem>>
      %dma_start3A_415 = arith.constant 0 : i32
      %dma_start3A_416 = tpu.memref_slice %arg5[%dma_start3A_411, %dma_start3A_415] : memref<4x128xi32, #tpu.memory_space<vmem>> -> memref<1x128xi32, #tpu.memory_space<vmem>>
      %dma_start3A_417 = tpu.memref_squeeze %dma_start3A_416 : memref<1x128xi32, #tpu.memory_space<vmem>> -> memref<128xi32, #tpu.memory_space<vmem>>
      %dma_start3A_418 = arith.constant 0 : i32
      %dma_start3A_419 = arith.constant 0 : i32
      %dma_start3A_420 = tpu.memref_slice %arg3[%dma_start3A_418, %dma_start3A_419] : memref<2600000x32xf32, #tpu.memory_space<hbm>> -> memref<2600000x32xf32, #tpu.memory_space<hbm>>
      tpu.enqueue_indirect_dma source(%dma_start3A_420 : memref<2600000x32xf32, #tpu.memory_space<hbm>>) target(%dma_start3A_414 : memref<128x32xf32, #tpu.memory_space<vmem>>) offsets(%dma_start3A_417 : memref<128xi32, #tpu.memory_space<vmem>>) semaphore(%arg7 : memref<!tpu.dma_semaphore, #tpu.memory_space<semaphore_mem>>)
      %dma_start3A_421 = arith.constant 3 : i32
      %dma_start3A_422 = arith.constant 384 : i32
      %dma_start3A_423 = arith.constant 0 : i32
      %dma_start3A_424 = tpu.memref_slice %arg6[%dma_start3A_422, %dma_start3A_423] : memref<512x32xf32, #tpu.memory_space<vmem>> -> memref<128x32xf32, #tpu.memory_space<vmem>>
      %dma_start3A_425 = arith.constant 0 : i32
      %dma_start3A_426 = tpu.memref_slice %arg5[%dma_start3A_421, %dma_start3A_425] : memref<4x128xi32, #tpu.memory_space<vmem>> -> memref<1x128xi32, #tpu.memory_space<vmem>>
      %dma_start3A_427 = tpu.memref_squeeze %dma_start3A_426 : memref<1x128xi32, #tpu.memory_space<vmem>> -> memref<128xi32, #tpu.memory_space<vmem>>
      %dma_start3A_428 = arith.constant 0 : i32
      %dma_start3A_429 = arith.constant 0 : i32
      %dma_start3A_430 = tpu.memref_slice %arg3[%dma_start3A_428, %dma_start3A_429] : memref<2600000x32xf32, #tpu.memory_space<hbm>> -> memref<2600000x32xf32, #tpu.memory_space<hbm>>
      tpu.enqueue_indirect_dma source(%dma_start3A_430 : memref<2600000x32xf32, #tpu.memory_space<hbm>>) target(%dma_start3A_424 : memref<128x32xf32, #tpu.memory_space<vmem>>) offsets(%dma_start3A_427 : memref<128xi32, #tpu.memory_space<vmem>>) semaphore(%arg7 : memref<!tpu.dma_semaphore, #tpu.memory_space<semaphore_mem>>)
      %dma_wait3A = arith.constant 0 : i32
      %dma_wait3A_431 = arith.constant 0 : i32
      %dma_wait3A_432 = arith.constant 0 : i32
      %dma_wait3A_433 = tpu.memref_slice %arg6[%dma_wait3A_431, %dma_wait3A_432] : memref<512x32xf32, #tpu.memory_space<vmem>> -> memref<128x32xf32, #tpu.memory_space<vmem>>
      %dma_wait3A_434 = arith.constant 0 : i32
      %dma_wait3A_435 = tpu.memref_slice %arg5[%dma_wait3A, %dma_wait3A_434] : memref<4x128xi32, #tpu.memory_space<vmem>> -> memref<1x128xi32, #tpu.memory_space<vmem>>
      %dma_wait3A_436 = tpu.memref_squeeze %dma_wait3A_435 : memref<1x128xi32, #tpu.memory_space<vmem>> -> memref<128xi32, #tpu.memory_space<vmem>>
      %dma_wait3A_437 = arith.constant 0 : i32
      %dma_wait3A_438 = arith.constant 0 : i32
      %dma_wait3A_439 = tpu.memref_slice %arg3[%dma_wait3A_437, %dma_wait3A_438] : memref<2600000x32xf32, #tpu.memory_space<hbm>> -> memref<2600000x32xf32, #tpu.memory_space<hbm>>
      tpu.wait_indirect_dma semaphore(%arg7 : memref<!tpu.dma_semaphore, #tpu.memory_space<semaphore_mem>>) src(%dma_wait3A_439 : memref<2600000x32xf32, #tpu.memory_space<hbm>>) dst(%dma_wait3A_433 : memref<128x32xf32, #tpu.memory_space<vmem>>)
      %dma_wait3A_440 = arith.constant 1 : i32
      %dma_wait3A_441 = arith.constant 128 : i32
      %dma_wait3A_442 = arith.constant 0 : i32
      %dma_wait3A_443 = tpu.memref_slice %arg6[%dma_wait3A_441, %dma_wait3A_442] : memref<512x32xf32, #tpu.memory_space<vmem>> -> memref<128x32xf32, #tpu.memory_space<vmem>>
      %dma_wait3A_444 = arith.constant 0 : i32
      %dma_wait3A_445 = tpu.memref_slice %arg5[%dma_wait3A_440, %dma_wait3A_444] : memref<4x128xi32, #tpu.memory_space<vmem>> -> memref<1x128xi32, #tpu.memory_space<vmem>>
      %dma_wait3A_446 = tpu.memref_squeeze %dma_wait3A_445 : memref<1x128xi32, #tpu.memory_space<vmem>> -> memref<128xi32, #tpu.memory_space<vmem>>
      %dma_wait3A_447 = arith.constant 0 : i32
      %dma_wait3A_448 = arith.constant 0 : i32
      %dma_wait3A_449 = tpu.memref_slice %arg3[%dma_wait3A_447, %dma_wait3A_448] : memref<2600000x32xf32, #tpu.memory_space<hbm>> -> memref<2600000x32xf32, #tpu.memory_space<hbm>>
      tpu.wait_indirect_dma semaphore(%arg7 : memref<!tpu.dma_semaphore, #tpu.memory_space<semaphore_mem>>) src(%dma_wait3A_449 : memref<2600000x32xf32, #tpu.memory_space<hbm>>) dst(%dma_wait3A_443 : memref<128x32xf32, #tpu.memory_space<vmem>>)
      %dma_wait3A_450 = arith.constant 2 : i32
      %dma_wait3A_451 = arith.constant 256 : i32
      %dma_wait3A_452 = arith.constant 0 : i32
      %dma_wait3A_453 = tpu.memref_slice %arg6[%dma_wait3A_451, %dma_wait3A_452] : memref<512x32xf32, #tpu.memory_space<vmem>> -> memref<128x32xf32, #tpu.memory_space<vmem>>
      %dma_wait3A_454 = arith.constant 0 : i32
      %dma_wait3A_455 = tpu.memref_slice %arg5[%dma_wait3A_450, %dma_wait3A_454] : memref<4x128xi32, #tpu.memory_space<vmem>> -> memref<1x128xi32, #tpu.memory_space<vmem>>
      %dma_wait3A_456 = tpu.memref_squeeze %dma_wait3A_455 : memref<1x128xi32, #tpu.memory_space<vmem>> -> memref<128xi32, #tpu.memory_space<vmem>>
      %dma_wait3A_457 = arith.constant 0 : i32
      %dma_wait3A_458 = arith.constant 0 : i32
      %dma_wait3A_459 = tpu.memref_slice %arg3[%dma_wait3A_457, %dma_wait3A_458] : memref<2600000x32xf32, #tpu.memory_space<hbm>> -> memref<2600000x32xf32, #tpu.memory_space<hbm>>
      tpu.wait_indirect_dma semaphore(%arg7 : memref<!tpu.dma_semaphore, #tpu.memory_space<semaphore_mem>>) src(%dma_wait3A_459 : memref<2600000x32xf32, #tpu.memory_space<hbm>>) dst(%dma_wait3A_453 : memref<128x32xf32, #tpu.memory_space<vmem>>)
      %dma_wait3A_460 = arith.constant 3 : i32
      %dma_wait3A_461 = arith.constant 384 : i32
      %dma_wait3A_462 = arith.constant 0 : i32
      %dma_wait3A_463 = tpu.memref_slice %arg6[%dma_wait3A_461, %dma_wait3A_462] : memref<512x32xf32, #tpu.memory_space<vmem>> -> memref<128x32xf32, #tpu.memory_space<vmem>>
      %dma_wait3A_464 = arith.constant 0 : i32
      %dma_wait3A_465 = tpu.memref_slice %arg5[%dma_wait3A_460, %dma_wait3A_464] : memref<4x128xi32, #tpu.memory_space<vmem>> -> memref<1x128xi32, #tpu.memory_space<vmem>>
      %dma_wait3A_466 = tpu.memref_squeeze %dma_wait3A_465 : memref<1x128xi32, #tpu.memory_space<vmem>> -> memref<128xi32, #tpu.memory_space<vmem>>
      %dma_wait3A_467 = arith.constant 0 : i32
      %dma_wait3A_468 = arith.constant 0 : i32
      %dma_wait3A_469 = tpu.memref_slice %arg3[%dma_wait3A_467, %dma_wait3A_468] : memref<2600000x32xf32, #tpu.memory_space<hbm>> -> memref<2600000x32xf32, #tpu.memory_space<hbm>>
      tpu.wait_indirect_dma semaphore(%arg7 : memref<!tpu.dma_semaphore, #tpu.memory_space<semaphore_mem>>) src(%dma_wait3A_469 : memref<2600000x32xf32, #tpu.memory_space<hbm>>) dst(%dma_wait3A_463 : memref<128x32xf32, #tpu.memory_space<vmem>>)
      "tpu.region"() ({
        %run_scoped3A = tpu.sem_alloc : memref<!tpu.dma_semaphore, #tpu.memory_space<semaphore_mem>>
        %dma_start3A_470 = arith.constant 0 : i32
        %dma_start3A_471 = tpu.memref_slice %arg4[%scan3A_7, %mul3A_2, %dma_start3A_470] : memref<26x16384x32xf32, #tpu.memory_space<hbm>> -> memref<1x512x32xf32, #tpu.memory_space<hbm>>
        %dma_start3A_472 = tpu.memref_squeeze %dma_start3A_471 : memref<1x512x32xf32, #tpu.memory_space<hbm>> -> memref<512x32xf32, #tpu.memory_space<hbm>>
        %dma_start3A_473 = arith.constant 0 : i32
        %dma_start3A_474 = tpu.memref_slice %arg4[%scan3A_7, %mul3A_2, %dma_start3A_473] : memref<26x16384x32xf32, #tpu.memory_space<hbm>> -> memref<1x512x32xf32, #tpu.memory_space<hbm>>
        %dma_start3A_475 = tpu.memref_squeeze %dma_start3A_474 : memref<1x512x32xf32, #tpu.memory_space<hbm>> -> memref<512x32xf32, #tpu.memory_space<hbm>>
        tpu.enqueue_dma source(%arg6 : memref<512x32xf32, #tpu.memory_space<vmem>>) target(%dma_start3A_475 : memref<512x32xf32, #tpu.memory_space<hbm>>) target_semaphore(%run_scoped3A : memref<!tpu.dma_semaphore, #tpu.memory_space<semaphore_mem>>)
        %dma_wait3A_476 = arith.constant 0 : i32
        %dma_wait3A_477 = tpu.memref_slice %arg4[%scan3A_7, %mul3A_2, %dma_wait3A_476] : memref<26x16384x32xf32, #tpu.memory_space<hbm>> -> memref<1x512x32xf32, #tpu.memory_space<hbm>>
        %dma_wait3A_478 = tpu.memref_squeeze %dma_wait3A_477 : memref<1x512x32xf32, #tpu.memory_space<hbm>> -> memref<512x32xf32, #tpu.memory_space<hbm>>
        %dma_wait3A_479 = arith.constant 0 : i32
        %dma_wait3A_480 = tpu.memref_slice %arg4[%scan3A_7, %mul3A_2, %dma_wait3A_479] : memref<26x16384x32xf32, #tpu.memory_space<hbm>> -> memref<1x512x32xf32, #tpu.memory_space<hbm>>
        %dma_wait3A_481 = tpu.memref_squeeze %dma_wait3A_480 : memref<1x512x32xf32, #tpu.memory_space<hbm>> -> memref<512x32xf32, #tpu.memory_space<hbm>>
        tpu.wait_dma2 semaphore(%run_scoped3A : memref<!tpu.dma_semaphore, #tpu.memory_space<semaphore_mem>>) src(%arg6 : memref<512x32xf32, #tpu.memory_space<vmem>>) dst(%dma_wait3A_481 : memref<512x32xf32, #tpu.memory_space<hbm>>)
        tpu.yield
      }) : () -> ()
    }
    %scan3A_6 = arith.constant 26 : i32
    return
  }
}

</mosaic_0001>

<sc_bundles>
// kernel: kernel.3.cloned.1.call-start
scs
__scs_entry_jumppad:
0x0: {  	(pc) =	sbr.rel $0x88, $3  }
0x1: {  	(tag) =	ssettag $0x0;
	lr =	simm.s32 $0x1  }
0x2: {  	[smem:$0x3F9F] =	sst lr;
	_ =	strace $0xD0000000  }
0x3: {  	_ = 	snop  }
0x4: {  	_ = 	snop  }
0x5: {  	_ = 	snop  }
0x6: {  	_ = 	snop  }
0x7: {  	_ = 	snop  }
__scs_overlays_trampoline_lowered:
0x8: {  	[smem:$0x3FAE] =	sst s0  }
0x9: {  	[smem:$0x3FAF] =	sst s1  }
0xa: {  	[smem:$0x3FB0] =	sst s2  }
0xb: {  	[smem:$0x3FB1] =	sst s3  }
0xc: {  	[smem:$0x3FB2] =	sst s4  }
0xd: {  	[smem:$0x3FB3] =	sst s5  }
0xe: {  	[smem:$0x3FB4] =	sst s6  }
0xf: {  	[smem:$0x3FB5] =	sst s7  }
0x10: {  	[smem:$0x3FB6] =	sst s8  }
0x11: {  	[smem:$0x3FB7] =	sst s9;
	s0 =	simm.s32 @!p0 $0x0  }
0x12: {  	s1 =	sld [smem:$0x3F9D];
	s0 =	simm.s32 @p0 $0x1  }
0x13: {  	[smem:$0x3FB8] =	sst s0;
	s0 =	simm.s32 @!p1 $0x0  }
0x14: {  	s2 =	sld [smem:$0x3F9C];
	s0 =	simm.s32 @p1 $0x1  }
0x15: {  	[smem:$0x3FB9] =	sst s0;
	s0 =	simm.s32 @!p2 $0x0  }
0x16: {  	s3 =	sld [smem:$0x3FDB];
	s0 =	simm.s32 @p2 $0x1  }
0x17: {  	s4 =	simm.s32 $0x1BF5;
	[smem:$0x3FBB] =	sst s0  }
0x18: {  	s0 =	sld [smem:$0x3F9E];
	_ =	swait.ge [sflag:s4], $0x0  }
0x19: {  	s7 =	sld [smem:$0x3F9F]  }
0x1a: {  	s8 =	sadd.s32 $0xFFFFE003, lr  }
0x1b: {  	s9 =	sadd.s32 $0xFFFFFEF7, lr;
	s5 =	simm.s32 $0xFFFFFFFF;
	p2 =	slt.u32 s8, $0xFFFFF086  }
0x1c: {  	p1 =	slt.u32 s9, $0xF7A;
	s5 =	simm.s32 @!p2 $0x0  }
0x1d: {  	s5 =	simm.s32 @p1 $0x1;
	p0 =	seq.s32 s7, s2  }
0x1e: {  	s7 =	smul.u32 @!p0 $0xF7A, s2;
	p2 =	seq.s32 @!p0 s5, $0x0  }
0x1f: {  	s9 =	smul.u32 $0xF7A, s1;
	s8 =	simm.s32 @!p0 $0x1BF5;
	p2 =	por !p2, p0  }
0x20: {  	[sflag:s8] =	ssyncset.s32 @!p0 $0xFFFFF086;
	s6 =	sadd.s32 @!p0 s3, s7;
	s7 =	simm.s32 @!p0 $0x108  }
0x21: {  	s3 =	sadd.s32 s3, s9;
	s6 =	sadd.s32 @!p0 $0x88, s6;
	s7 =	simm.s32 @p2 $0x1082  }
0x22: {  	[simem:s7], [sflag:s8] =	dma.local @!p0 [hbm:s6], $0xF7A  }
0x23: {  	s9 =	sor.u32 $0xD0000000, s2;
	s6 =	simm.s32 $0x108;
	_ =	swait.ge @!p0 [sflag:s8], $0x0  }
0x24: {  	s3 =	sadd.s32 $0x88, s3;
	s6 =	simm.s32 @!p1 $0x1082;
	[sflag:s4] =	ssyncset.s32 $0xFFFFF086  }
0x25: {  	[simem:s6], [sflag:s4] =	dma.local [hbm:s3], $0xF7A  }
0x26: {  	[smem:$0x3F9F] =	sst s1;
	(tag) =	ssettag s2;
	_ =	strace s9  }
0x27: {  	s1 =	sld [smem:$0x3FAF]  }
0x28: {  	s2 =	sld [smem:$0x3FB0]  }
0x29: {  	s4 =	sld [smem:$0x3FB2]  }
0x2a: {  	p0 =	seq.s32 s5, $0x0;
	s5 =	sld [smem:$0x3FB3]  }
0x2b: {  	s6 =	sld [smem:$0x3FB4]  }
0x2c: {  	s7 =	sld [smem:$0x3FB5]  }
0x2d: {  	s3 =	simm.s32 $0x108;
	s8 =	sld [smem:$0x3FB6]  }
0x2e: {  	s3 =	simm.s32 @!p0 $0x1082;
	s9 =	sld [smem:$0x3FB7]  }
0x2f: {  	lr =	sadd.s32 s0, s3;
	s0 =	sld [smem:$0x3FAE]  }
0x30: {  	s3 =	sld [smem:$0x3FB1]  }
0x31: {  	[smem:$0x3FBA] =	sst s10  }
0x32: {  	s10 =	sld [smem:$0x3FB8];
	_ =	sdelay $0x3  }
0x33: {  	p0 =	seq.s32 s10, $0x1;
	s10 =	sld [smem:$0x3FBA];
	_ =	sdelay $0x3  }
0x34: {  	[smem:$0x3FBA] =	sst s10  }
0x35: {  	s10 =	sld [smem:$0x3FB9];
	_ =	sdelay $0x3  }
0x36: {  	p1 =	seq.s32 s10, $0x1;
	s10 =	sld [smem:$0x3FBA];
	_ =	sdelay $0x3  }
0x37: {  	[smem:$0x3FBA] =	sst s10  }
0x38: {  	s10 =	sld [smem:$0x3FBB]  }
0x39: {  	_ = 	snop;
	(pc) =	sbr.ind lr, $3  }
0x3a: {  	_ = 	snop  }
0x3b: {  	_ = 	snop  }
0x3c: {  	p2 =	seq.s32 s10, $0x1;
	s10 =	sld [smem:$0x3FBA]  }
0x3d: {  	_ =	shalt  }
0x3e: {  	_ =	shalt  }
0x3f: {  	_ =	shalt  }
0x40: {  	_ =	shalt  }
0x41: {  	_ =	shalt  }
0x42: {  	_ =	shalt  }
0x43: {  	_ =	shalt  }
0x44: {  	_ =	shalt  }
0x45: {  	_ =	shalt  }
0x46: {  	_ =	shalt  }
0x47: {  	_ =	shalt  }
0x48: {  	_ =	shalt  }
0x49: {  	_ =	shalt  }
0x4a: {  	_ =	shalt  }
0x4b: {  	_ =	shalt  }
0x4c: {  	_ =	shalt  }
0x4d: {  	_ =	shalt  }
0x4e: {  	_ =	shalt  }
0x4f: {  	_ =	shalt  }
0x50: {  	_ =	shalt  }
0x51: {  	_ =	shalt  }
0x52: {  	_ =	shalt  }
0x53: {  	_ =	shalt  }
0x54: {  	_ =	shalt  }
0x55: {  	_ =	shalt  }
0x56: {  	_ =	shalt  }
0x57: {  	_ =	shalt  }
0x58: {  	_ =	shalt  }
0x59: {  	_ =	shalt  }
0x5a: {  	_ =	shalt  }
0x5b: {  	_ =	shalt  }
0x5c: {  	_ =	shalt  }
0x5d: {  	_ =	shalt  }
0x5e: {  	_ =	shalt  }
0x5f: {  	_ =	shalt  }
0x60: {  	_ =	shalt  }
0x61: {  	_ =	shalt  }
0x62: {  	_ =	shalt  }
0x63: {  	_ =	shalt  }
0x64: {  	_ =	shalt  }
0x65: {  	_ =	shalt  }
0x66: {  	_ =	shalt  }
0x67: {  	_ =	shalt  }
0x68: {  	_ =	shalt  }
0x69: {  	_ =	shalt  }
0x6a: {  	_ =	shalt  }
0x6b: {  	_ =	shalt  }
0x6c: {  	_ =	shalt  }
0x6d: {  	_ =	shalt  }
0x6e: {  	_ =	shalt  }
0x6f: {  	_ =	shalt  }
0x70: {  	_ =	shalt  }
0x71: {  	_ =	shalt  }
0x72: {  	_ =	shalt  }
0x73: {  	_ =	shalt  }
0x74: {  	_ =	shalt  }
0x75: {  	_ =	shalt  }
0x76: {  	_ =	shalt  }
0x77: {  	_ =	shalt  }
0x78: {  	_ =	shalt  }
0x79: {  	_ =	shalt  }
0x7a: {  	_ =	shalt  }
0x7b: {  	_ =	shalt  }
0x7c: {  	_ =	shalt  }
0x7d: {  	_ =	shalt  }
0x7e: {  	_ =	shalt  }
0x7f: {  	_ =	shalt  }
0x80: {  	_ =	shalt  }
0x81: {  	_ =	shalt  }
0x82: {  	_ =	shalt  }
0x83: {  	_ =	shalt  }
0x84: {  	_ =	shalt  }
0x85: {  	_ =	shalt  }
0x86: {  	_ =	shalt  }
0x87: {  	_ =	shalt  }
.Lfunc_end0:
.L_simem_size_0:
called_computation.1_lowered:
.L_overlay_start_0:
0x88: {  	s2 =	sld [smem:$0x3FD9]  }
0x89: {  	s3 =	sld [smem:$0x3FFE];
	_ =	sdelay $0x1  }
0x8a: {  	s1 =	srdreg.scid  }
0x8b: {  	s0 =	sand.u32 $0x1, s1  }
0x8c: {  	s17 =	sshll.u32 s0, $0xA;
	s2 =	sadd.s32 s3, s2  }
0x8d: {  	s2 =	sadd.s32 s2, s17  }
0x8e: {  	[smem:$0x3FC6] =	sst s2  }
0x8f: {  	_ = 	snop  }
0x90: {  	s2 =	sld [smem:$0x3FD0];
	(tm) =	ssettm $0x1  }
0x91: {  	s18 =	sld [smem:$0x3FFB];
	_ =	sdelay $0x3  }
0x92: {  	_ =	strace s18  }
0x93: {  	s3 =	sld [smem:$0x3FFC];
	_ =	sdelay $0x3  }
0x94: {  	_ =	strace s3  }
0x95: {  	s3 =	sld [smem:$0x3FFD];
	_ =	sdelay $0x3  }
0x96: {  	_ =	strace s3  }
0x97: {  	_ =	strace $0x8FFFFFFF  }
0x98: {  	s19 =	sld [smem:$0x3FDB];
	_ =	sdelay $0x1  }
0x99: {  	s4 =	simm.s32 $_scs_section_size  }
0x9a: {  	s5 =	simm.s32 $_size__tile_overlayer_lowered;
	s6 =	simm.s32 $_tile_overlayer_lowered  }
0x9b: {  	s22 =	simm.s32 $0x1BFF;
	s21 =	sshll.u32 s6, $0x1;
	s3 =	sadd.s32 s4, s19  }
0x9c: {  	s7 =	simm.s32 $0x0;
	s20 =	sshll.u32 s5, $0x1;
	s5 =	sadd.s32 s21, s3  }
0x9d: {  	[timem:s7], [sflag:s22] =	dma.local [hbm:s5], s20  }
0x9e: {  	_ =	swait.ge [sflag:s22], s20  }
0x9f: {  	s4 =	ssub.s32 $0x0, s20;
	[sflag:s22] =	ssyncset.done $0x0  }
0xa0: {  	[sflag:s22] =	ssyncadd.s32 s4;
	_ =	sdelay $0x1  }
0xa1: {  	s23 =	simm.s32 $0x1B8B  }
0xa2: {  	_ =	swait.ge [sflag:s23], $0x1  }
0xa3: {  	[sflag:s23] =	ssyncset.done $0x0  }
0xa4: {  	s25 =	simm.s32 $0x1B8E;
	s24 =	sld [smem:$0x3FFE];
	[sflag:s23] =	ssyncadd.s32 $0xFFFFFFFF  }
0xa5: {  	s26 =	simm.s32 $execute0_lowered;
	[smem:$0x3FD2] =	sst s25  }
0xa6: {  	s5 =	sshll.u32 s26, $0x1;
	_ =	strace $0x80000046;
	[dreg:$0x1] =	wrdreg $0xFFFFFFFF  }
0xa7: {  	s28 =	simm.s32 $_size_execute0_lowered;
	s3 =	sadd.s32 s3, s5;
	[dreg:$0x0] =	wrdreg $0x0  }
0xa8: {  	s5 =	sshll.u32 s28, $0x1;
	[dreg:$0x2] =	wrdreg s3  }
0xa9: {  	[dreg:$0x3] =	wrdreg s5  }
0xaa: {  	[dreg:$0x4] =	wrdreg $0xC0  }
0xab: {  	_ =	task [dreg:s7], $0x5FFFF  }
0xac: {  	[dreg:$0x1] =	wrdreg $0xFFFFFFFF  }
0xad: {  	[dreg:$0x0] =	wrdreg $0x60  }
0xae: {  	[dreg:$0x2] =	wrdreg s24  }
0xaf: {  	[dreg:$0x3] =	wrdreg s2  }
0xb0: {  	[dreg:$0x4] =	wrdreg $0x9  }
0xb1: {  	_ =	task.clear_ibuf [dreg:s7], $0x5FFFF;
	_ =	strace $0x90000046  }
0xb2: {  	s29 =	simm.s32 $0x9;
	_ =	strace $0x80000048  }
0xb3: {  	_ =	swait.ge [sflag:s29], $0x1  }
0xb4: {  	[sflag:s29] =	ssyncadd.s32 $0xFFFFFFFF  }
0xb5: {  	_ =	strace $0x90000048  }
0xb6: {  	_ =	sfence  }
0xb7: {  	s30 =	sld [smem:$0x0];
	_ =	sdelay $0x2  }
0xb8: {  	s31 =	sshll.u32 s1, $0xD;
	s1 =	sshrl.u32 s1, $0x2  }
0xb9: {  	s3 =	sand.u32 $0x4000, s31;
	s1 =	sadd.s32 s1, s30  }
0xba: {  	s0 =	sor.u32 s3, s0;
	s1 =	sshll.u32 s1, $0x11  }
0xbb: {  	s0 =	sor.u32 s1, s0  }
0xbc: {  	s0 =	sadd.s32 $0x8F2B, s0  }
0xbd: {  	[sflag:s0] =	ssyncadd.remote.s32 $0x1  }
0xbe: {  	_ =	sfence.sel $0xFFFF  }
0xbf: {  	[dreg:$0x0] =	wrdreg $0xFFFFFFFF;
	(pc) =	sbr.abs _section_cstart, $3  }
0xc0: {  	[dreg:$0x1] =	wrdreg $0xFFFFFFFF  }
0xc1: {  	_ =	task.clear_ibuf [dreg:s7], $0x2FFFF;
	_ =	strace $0x9FFFFFFF  }
0xc2: {  	(tm) =	ssettm $0x7FFFFFFF  }
0xc3: {  	_ =	shalt  }
tec
execute0_lowered:
.L_overlay_start_1:
0x0: {  	(tag) =	ssettag $0x1  }
0x1: {  	s1 =	srdreg.scid;
	s3 =	rddreg [dreg:$0x0]  }
0x2: {  	s0 =	stileid.u32;
	s6 =	rddreg [dreg:$0x1]  }
0x3: {  	s2 =	simm.s32 $0x0;
	s9 =	simm.s32 $0x200;
	s10 =	simm.s32 $0x1200  }
0x4: {  	s11 =	simm.s32 $0x100;
	s12 =	simm.s32 $0x2200;
	s13 =	simm.s32 $0x180  }
0x5: {  	s14 =	simm.s32 $0x3200;
	s15 =	simm.s32 $0x1;
	s16 =	simm.s32 $0x0  }
0x6: {  	s5 =	sand.u32 $0x1, s1;
	s4 =	sshll.u32 s0, $0xA;
	s1 =	rddreg [dreg:$0x2]  }
0x7: {  	[smem:$0x7FF] =	sst s2;
	s31 =	sshll.u32 s0, $0xC;
	s7 =	sshll.u32 s5, $0x9  }
0x8: {  	s29 =	ssub.s32 $0x2, s5;
	_ =	strace $0x80000047;
	s6 =	sadd.s32 s31, s6  }
0x9: {  	s5 =	sshll.u32 s5, $0xB;
	s4 =	sor.u32 s7, s4;
	s30 =	sshrl.u32 s29, $0x1  }
0xa: {  	s5 =	sadd.s32 s5, s6;
	s7 =	simm.s32 $0x2;
	s4 =	sshrl.u32 s4, $0x3  }
0xb: {  	s8 =	sadd.s32 s4, s3;
	s3 =	sadd.s32 $0x27ACE00, s3;
	s4 =	ssub.s32 s29, s30  }
0xc: {  	s4 =	smax.u32 s4, $0x1;
	s6 =	sadd.s32 $0xA00, s8;
	s8 =	simm.s32 $0x80  }
.LBB2_1:
0xd: {  	[tilespmem:s2], [sflag:$0x2] =	stream.linear.gather [hbm4b:s6+s2], $0x200, $0x38;
	[tilespmem:$0x4200] =	vst v63  }
0xe: {  	_ =	swait.ge [sflag:s7], $0x200  }
0xf: {  	[sflag:s7] =	ssyncset.done $0x0  }
0x10: {  	[sflag:s7] =	ssyncadd.s32 $0xFFFFFE00  }
0x11: {  	s19 =	simm.s32 $0x186A0;
	s20 =	smov.u32 s5;
	v0 =	vld [tilespmem:$0x1C0]  }
0x12: {  	s21 =	smov.u32 s6;
	s18 =	simm.s32 $0x0;
	s17 =	smov.u32 s5;
	v1 =	vld [tilespmem:$0x1D0]  }
.LBB2_2:
0x13: {  	p0 =	sne.s32 s19, $0x2625A0;
	v2 =	vld [tilespmem:$0x1E0];
	s20 =	sadd.s32 $0x10000, s20;
	s21 =	sadd.s32 $0x800, s21  }
0x14: {  	s22 =	smov.u32 s19;
	s19 =	sadd.s32 $0x186A0, s19;
	v3 =	vld [tilespmem:$0x20]  }
0x15: {  	v4 =	vld [tilespmem:$0x0]  }
0x16: {  	v5 =	vld [tilespmem:$0x130]  }
0x17: {  	v6 =	vld [tilespmem:$0x60]  }
0x18: {  	v1 =	vadd.s32 s18, v1;
	v2 =	vadd.s32 s18, v2;
	v7 =	vld [tilespmem:$0x1F0]  }
0x19: {  	v0 =	vadd.s32 s18, v0;
	v3 =	vadd.s32 s18, v3;
	v8 =	vld [tilespmem:$0x1B0];
	[tilespmem:$0x1E0] =	vst v2  }
0x1a: {  	v2 =	vadd.s32 s18, v4;
	[tilespmem:$0x20] =	vst v3;
	v3 =	vld [tilespmem:$0x170]  }
0x1b: {  	v4 =	vadd.s32 s18, v5;
	v5 =	vld [tilespmem:$0x190];
	[tilespmem:$0x1D0] =	vst v1  }
0x1c: {  	v1 =	vld [tilespmem:$0x40];
	[tilespmem:$0x1C0] =	vst v0  }
0x1d: {  	v0 =	vld [tilespmem:$0x50];
	[tilespmem:$0x130] =	vst v4;
	v4 =	vadd.s32 s18, v7  }
0x1e: {  	v7 =	vld [tilespmem:$0x180];
	v8 =	vadd.s32 s18, v8;
	[tilespmem:$0x1F0] =	vst v4  }
0x1f: {  	v4 =	vld [tilespmem:$0x70];
	v3 =	vadd.s32 s18, v3;
	[tilespmem:$0x1B0] =	vst v8  }
0x20: {  	v8 =	vld [tilespmem:$0x160];
	[tilespmem:$0x170] =	vst v3;
	v3 =	vadd.s32 s18, v5  }
0x21: {  	v1 =	vadd.s32 s18, v1;
	v5 =	vld [tilespmem:$0x80];
	[tilespmem:$0x190] =	vst v3  }
0x22: {  	[tilespmem:$0x40] =	vst v1;
	v0 =	vadd.s32 s18, v0;
	v1 =	vld [tilespmem:$0x150]  }
0x23: {  	[tilespmem:$0x50] =	vst v0;
	v0 =	vadd.s32 s18, v6;
	v3 =	vld [tilespmem:$0x90];
	v6 =	vadd.s32 s18, v7  }
0x24: {  	v7 =	vld [tilespmem:$0x140];
	[tilespmem:$0x180] =	vst v6  }
0x25: {  	[tilespmem:$0x60] =	vst v0;
	v0 =	vadd.s32 s18, v4;
	v4 =	vld [tilespmem:$0xA0];
	v6 =	vadd.s32 s18, v8  }
0x26: {  	v5 =	vadd.s32 s18, v5;
	v8 =	vld [tilespmem:$0xB0];
	[tilespmem:$0x160] =	vst v6  }
0x27: {  	v6 =	vld [tilespmem:$0x30];
	[tilespmem:$0x80] =	vst v5;
	v1 =	vadd.s32 s18, v1  }
0x28: {  	v5 =	vld [tilespmem:$0x120];
	[tilespmem:$0x150] =	vst v1  }
0x29: {  	[tilespmem:$0x70] =	vst v0;
	v0 =	vadd.s32 s18, v3;
	v1 =	vld [tilespmem:$0xC0];
	v3 =	vadd.s32 s18, v7  }
0x2a: {  	v4 =	vadd.s32 s18, v4;
	v7 =	vld [tilespmem:$0x110];
	[tilespmem:$0x140] =	vst v3  }
0x2b: {  	[tilespmem:$0xA0] =	vst v4;
	v3 =	vadd.s32 s18, v8;
	v4 =	vld [tilespmem:$0xD0]  }
0x2c: {  	[tilespmem:$0xB0] =	vst v3;
	v3 =	vld [tilespmem:$0x100]  }
0x2d: {  	v6 =	vadd.s32 s18, v6;
	v8 =	vld [tilespmem:$0x10];
	[tilespmem:$0x90] =	vst v0;
	v0 =	vadd.s32 s18, v5  }
0x2e: {  	v1 =	vadd.s32 s18, v1;
	v5 =	vld [tilespmem:$0xE0];
	[tilespmem:$0x120] =	vst v0  }
0x2f: {  	[tilespmem:$0xC0] =	vst v1;
	v0 =	vadd.s32 s18, v7  }
0x30: {  	[tilespmem:$0x110] =	vst v0  }
0x31: {  	v0 =	vadd.s32 s18, v4;
	[tilespmem:$0x30] =	vst v6;
	v1 =	vadd.s32 s18, v3;
	v3 =	vld [tilespmem:$0x1A0]  }
0x32: {  	v4 =	vld [tilespmem:$0xF0];
	[tilespmem:$0x100] =	vst v1  }
0x33: {  	v1 =	vadd.s32 s18, v8;
	[tilespmem:$0xD0] =	vst v0;
	v0 =	vadd.s32 s18, v5  }
0x34: {  	[tilespmem:$0xE0] =	vst v0  }
0x35: {  	[tilespmem:$0x10] =	vst v1  }
0x36: {  	[tilespmem:$0x0] =	vst v2;
	v0 =	vadd.s32 s18, v3  }
0x37: {  	v1 =	vadd.s32 s18, v4;
	[tilespmem:$0x1A0] =	vst v0;
	s18 =	smov.u32 s22  }
0x38: {  	[tilespmem:$0xF0] =	vst v1  }
0x39: {  	[tilespmem:s9], [sflag:$0x1] =	stream.indirect.gather [hbm4b:s3+s8], $0x20, s2, s8, $0xb8;
	[tilespmem:$0x4200] =	vst v63  }
0x3a: {  	_ = 	snop  }
0x3b: {  	[tilespmem:s10], [sflag:$0x1] =	stream.indirect.gather [hbm4b:s3+s8], $0x20, s8, s8, $0xb8;
	[tilespmem:$0x4200] =	vst v63  }
0x3c: {  	_ = 	snop  }
0x3d: {  	[tilespmem:s12], [sflag:$0x1] =	stream.indirect.gather [hbm4b:s3+s8], $0x20, s11, s8, $0xb8;
	[tilespmem:$0x4200] =	vst v63  }
0x3e: {  	_ = 	snop  }
0x3f: {  	[tilespmem:s14], [sflag:$0x1] =	stream.indirect.gather [hbm4b:s3+s8], $0x20, s13, s8, $0xb8;
	[tilespmem:$0x4200] =	vst v63  }
0x40: {  	_ =	swait.ge [sflag:s15], $0x1000  }
0x41: {  	[sflag:s15] =	ssyncset.done $0x0  }
0x42: {  	[sflag:s15] =	ssyncadd.s32 $0xFFFFF000  }
0x43: {  	_ =	swait.ge [sflag:s15], $0x1000  }
0x44: {  	[sflag:s15] =	ssyncset.done $0x0  }
0x45: {  	[sflag:s15] =	ssyncadd.s32 $0xFFFFF000  }
0x46: {  	_ =	swait.ge [sflag:s15], $0x1000  }
0x47: {  	[sflag:s15] =	ssyncset.done $0x0  }
0x48: {  	[sflag:s15] =	ssyncadd.s32 $0xFFFFF000  }
0x49: {  	_ =	swait.ge [sflag:s15], $0x1000  }
0x4a: {  	[sflag:s15] =	ssyncset.done $0x0  }
0x4b: {  	[sflag:s15] =	ssyncadd.s32 $0xFFFFF000  }
0x4c: {  	[hbm4b:s17+s2] =	stream.linear.scatter [tilespmem:s9], [sflag:$0x2], $0x4000, $0x38;
	[tilespmem:$0x4200] =	vst v63  }
0x4d: {  	s17 =	smov.u32 s20;
	_ =	swait.ge [sflag:s7], $0x4000  }
0x4e: {  	[sflag:s7] =	ssyncset.done $0x0  }
0x4f: {  	[sflag:s7] =	ssyncadd.s32 $0xFFFFC000  }
0x50: {  	[tilespmem:s2], [sflag:$0x2] =	stream.linear.gather [hbm4b:s21+s2], $0x200, $0x38;
	[tilespmem:$0x4200] =	vst v63  }
.Ltmp0:
0x51: {  	_ =	swait.ge [sflag:s7], $0x200;
	(pc) =	sbr.rel @p0 .LBB2_2-.Ltmp0, $4  }
0x52: {  	[sflag:s7] =	ssyncset.done $0x0  }
0x53: {  	[sflag:s7] =	ssyncadd.s32 $0xFFFFFE00  }
0x54: {  	v0 =	vld [tilespmem:$0x1C0]  }
0x55: {  	v1 =	vld [tilespmem:$0x1D0]  }
0x56: {  	v2 =	vld [tilespmem:$0x1E0]  }
0x57: {  	v3 =	vld [tilespmem:$0x20]  }
0x58: {  	v4 =	vld [tilespmem:$0x130]  }
0x59: {  	v5 =	vld [tilespmem:$0x1F0];
	v0 =	vadd.s32 s18, v0  }
0x5a: {  	v6 =	vld [tilespmem:$0x1B0];
	v1 =	vadd.s32 s18, v1;
	[tilespmem:$0x1C0] =	vst v0  }
0x5b: {  	v25 =	vld [tilespmem:$0x190];
	v2 =	vadd.s32 s18, v2;
	[tilespmem:$0x1D0] =	vst v1  }
0x5c: {  	v27 =	vld [tilespmem:$0x40];
	v3 =	vadd.s32 s18, v3;
	[tilespmem:$0x1E0] =	vst v2  }
0x5d: {  	v28 =	vld [tilespmem:$0x50];
	v26 =	vadd.s32 s18, v4;
	[tilespmem:$0x20] =	vst v3  }
0x5e: {  	v30 =	vld [tilespmem:$0x180];
	v29 =	vadd.s32 s18, v5;
	[tilespmem:$0x130] =	vst v26  }
0x5f: {  	v31 =	vld [tilespmem:$0x60];
	v6 =	vadd.s32 s18, v6;
	[tilespmem:$0x1F0] =	vst v29  }
0x60: {  	v32 =	vld [tilespmem:$0x160];
	v33 =	vadd.s32 s18, v25;
	[tilespmem:$0x1B0] =	vst v6  }
0x61: {  	v35 =	vld [tilespmem:$0x80];
	v34 =	vadd.s32 s18, v27;
	[tilespmem:$0x190] =	vst v33  }
0x62: {  	v39 =	vld [tilespmem:$0x140];
	v0 =	vadd.s32 s18, v28;
	[tilespmem:$0x40] =	vst v34  }
0x63: {  	v42 =	vld [tilespmem:$0xB0];
	v38 =	vadd.s32 s18, v30;
	[tilespmem:$0x50] =	vst v0  }
0x64: {  	v44 =	vld [tilespmem:$0x120];
	v1 =	vadd.s32 s18, v31;
	[tilespmem:$0x180] =	vst v38  }
0x65: {  	v47 =	vld [tilespmem:$0x110];
	v41 =	vadd.s32 s18, v32;
	[tilespmem:$0x60] =	vst v1  }
0x66: {  	v51 =	vld [tilespmem:$0xD0];
	v4 =	vadd.s32 s18, v35;
	[tilespmem:$0x160] =	vst v41  }
0x67: {  	v53 =	vld [tilespmem:$0xE0];
	v46 =	vadd.s32 s18, v39;
	[tilespmem:$0x80] =	vst v4  }
0x68: {  	v56 =	vld [tilespmem:$0x0];
	v49 =	vadd.s32 s18, v42;
	[tilespmem:$0x140] =	vst v46  }
0x69: {  	v57 =	vld [tilespmem:$0x1A0];
	v52 =	vadd.s32 s18, v44;
	[tilespmem:$0xB0] =	vst v49  }
0x6a: {  	v59 =	vld [tilespmem:$0xF0];
	v55 =	vadd.s32 s18, v47;
	[tilespmem:$0x120] =	vst v52  }
0x6b: {  	v24 =	vld [tilespmem:$0x170];
	v58 =	vadd.s32 s18, v51;
	[tilespmem:$0x110] =	vst v55  }
0x6c: {  	v37 =	vld [tilespmem:$0x70];
	v60 =	vadd.s32 s18, v53;
	[tilespmem:$0xD0] =	vst v58  }
0x6d: {  	v40 =	vld [tilespmem:$0xA0];
	v61 =	vadd.s32 s18, v56;
	[tilespmem:$0xE0] =	vst v60  }
0x6e: {  	v43 =	vld [tilespmem:$0x90];
	v62 =	vadd.s32 s18, v57;
	[tilespmem:$0x0] =	vst v61  }
0x6f: {  	v36 =	vld [tilespmem:$0x150];
	v63 =	vadd.s32 s18, v59;
	[tilespmem:$0x1A0] =	vst v62  }
0x70: {  	v48 =	vld [tilespmem:$0x30];
	v2 =	vadd.s32 s18, v24;
	[tilespmem:$0xF0] =	vst v63  }
0x71: {  	v50 =	vld [tilespmem:$0x100];
	v3 =	vadd.s32 s18, v37;
	[tilespmem:$0x170] =	vst v2  }
0x72: {  	v54 =	vld [tilespmem:$0x10];
	v0 =	vadd.s32 s18, v40;
	[tilespmem:$0x70] =	vst v3  }
0x73: {  	v45 =	vld [tilespmem:$0xC0];
	v1 =	vadd.s32 s18, v43;
	[tilespmem:$0xA0] =	vst v0  }
0x74: {  	v2 =	vadd.s32 s18, v36;
	[tilespmem:$0x90] =	vst v1  }
0x75: {  	v3 =	vadd.s32 s18, v48;
	[tilespmem:$0x150] =	vst v2  }
0x76: {  	v0 =	vadd.s32 s18, v50;
	[tilespmem:$0x30] =	vst v3  }
0x77: {  	v1 =	vadd.s32 s18, v54;
	[tilespmem:$0x100] =	vst v0  }
0x78: {  	v2 =	vadd.s32 s18, v45;
	[tilespmem:$0x10] =	vst v1  }
0x79: {  	[tilespmem:$0xC0] =	vst v2  }
0x7a: {  	[tilespmem:s9], [sflag:$0x1] =	stream.indirect.gather [hbm4b:s3+s8], $0x20, s2, s8, $0xb8;
	[tilespmem:$0x4200] =	vst v63  }
0x7b: {  	_ = 	snop  }
0x7c: {  	[tilespmem:s10], [sflag:$0x1] =	stream.indirect.gather [hbm4b:s3+s8], $0x20, s8, s8, $0xb8;
	[tilespmem:$0x4200] =	vst v63  }
0x7d: {  	_ = 	snop  }
0x7e: {  	[tilespmem:s12], [sflag:$0x1] =	stream.indirect.gather [hbm4b:s3+s8], $0x20, s11, s8, $0xb8;
	[tilespmem:$0x4200] =	vst v63  }
0x7f: {  	_ = 	snop  }
0x80: {  	[tilespmem:s14], [sflag:$0x1] =	stream.indirect.gather [hbm4b:s3+s8], $0x20, s13, s8, $0xb8;
	[tilespmem:$0x4200] =	vst v63  }
0x81: {  	_ =	swait.ge [sflag:s15], $0x1000  }
0x82: {  	[sflag:s15] =	ssyncset.done $0x0  }
0x83: {  	[sflag:s15] =	ssyncadd.s32 $0xFFFFF000  }
0x84: {  	_ =	swait.ge [sflag:s15], $0x1000  }
0x85: {  	[sflag:s15] =	ssyncset.done $0x0  }
0x86: {  	[sflag:s15] =	ssyncadd.s32 $0xFFFFF000  }
0x87: {  	_ =	swait.ge [sflag:s15], $0x1000  }
0x88: {  	[sflag:s15] =	ssyncset.done $0x0  }
0x89: {  	[sflag:s15] =	ssyncadd.s32 $0xFFFFF000  }
0x8a: {  	s16 =	sadd.s32 $0x1, s16;
	_ =	swait.ge [sflag:s15], $0x1000  }
0x8b: {  	p0 =	sne.s32 s16, s4;
	[sflag:s15] =	ssyncset.done $0x0  }
.Ltmp1:
0x8c: {  	[sflag:s15] =	ssyncadd.s32 $0xFFFFF000;
	(pc) =	sbr.rel @p0 .LBB2_1-.Ltmp1, $4  }
0x8d: {  	[hbm4b:s17+s2] =	stream.linear.scatter [tilespmem:s9], [sflag:$0x2], $0x4000, $0x38;
	[tilespmem:$0x4200] =	vst v63  }
0x8e: {  	_ =	swait.ge [sflag:s7], $0x4000  }
0x8f: {  	[sflag:s7] =	ssyncset.done $0x0  }
0x90: {  	[sflag:s7] =	ssyncadd.s32 $0xFFFFC000  }
0x91: {  	_ =	sfence.sel $0x180000  }
0x92: {  	[bflag:$0x0] =	sbarrier.arrive $0xFFFF  }
0x93: {  	p0 =	sne.s32 s0, $0x0;
	_ =	strace $0x90000047  }
0x94: {  	s0 =	sadd.s32 @!p0 $0x100000, s1;
	[bflag:$0x2] =	sbarrier.arrive $0xFFFF  }
0x95: {  	[sflag:s0] =	ssyncadd.tile.s32 @!p0 $0x1;
	_ =	shalt  }
.Lfunc_end2:
_tile_overlayer_lowered:
.L_overlay_start_2:
0x96: {  	(tag) =	ssettag $0x2  }
0x97: {  	s0 =	rddreg [dreg:$0x0];
	s2 =	stileid.u32  }
0x98: {  	s1 =	rddreg [dreg:$0x1];
	p0 =	sne.s32 s2, $0x0  }
0x99: {  	s3 =	rddreg [dreg:$0x2];
	[bflag:$0x3] =	sbarrier.arrive $0xFFFF;
	s2 =	simm.s32 @!p0 $0x1C02  }
0x9a: {  	[timem:s3], [sflag:s2] =	dma.local @!p0 [hbm:s0], s1  }
0x9b: {  	s0 =	simm.s32 @!p0 $0x2  }
0x9c: {  	_ =	swait.ge @!p0 [sflag:s0], s1  }
0x9d: {  	s1 =	ssub.s32 @!p0 $0x0, s1;
	[sflag:s0] =	ssyncset.done @!p0 $0x0  }
0x9e: {  	[sflag:s0] =	ssyncadd.s32 @!p0 s1  }
0x9f: {  	[bflag:$0x3] =	sbarrier.arrive $0xFFFF  }
0xa0: {  	_ =	shalt  }

// kernel: sparse-core-data-format-call.cloned.1.call-start
scs
called_computation_lowered:
.L_overlay_start_0:
0x0: {  	s2 =	sld [smem:$0x3FD9]  }
0x1: {  	s3 =	sld [smem:$0x3FFE];
	_ =	sdelay $0x1  }
0x2: {  	s1 =	srdreg.scid  }
0x3: {  	s0 =	sand.u32 $0x1, s1  }
0x4: {  	s18 =	sshll.u32 s0, $0xA;
	s2 =	sadd.s32 s3, s2  }
0x5: {  	s2 =	sadd.s32 s2, s18  }
0x6: {  	[smem:$0x3FC6] =	sst s2  }
0x7: {  	_ = 	snop  }
0x8: {  	s2 =	sld [smem:$0x3FD0];
	(tm) =	ssettm $0x1  }
0x9: {  	s19 =	sld [smem:$0x3FFB];
	_ =	sdelay $0x3  }
0xa: {  	_ =	strace s19  }
0xb: {  	s3 =	sld [smem:$0x3FFC];
	_ =	sdelay $0x3  }
0xc: {  	_ =	strace s3  }
0xd: {  	s3 =	sld [smem:$0x3FFD];
	_ =	sdelay $0x3  }
0xe: {  	_ =	strace s3  }
0xf: {  	_ =	strace $0x8FFFFFFF  }
0x10: {  	s20 =	sld [smem:$0x3FDB];
	_ =	sdelay $0x1  }
0x11: {  	s4 =	simm.s32 $_scs_section_size  }
0x12: {  	s5 =	simm.s32 $_size__tile_overlayer_lowered;
	s6 =	simm.s32 $_tile_overlayer_lowered  }
0x13: {  	s23 =	simm.s32 $0x1BFF;
	s22 =	sshll.u32 s6, $0x1;
	s3 =	sadd.s32 s4, s20  }
0x14: {  	s7 =	simm.s32 $0x0;
	s21 =	sshll.u32 s5, $0x1;
	s5 =	sadd.s32 s22, s3  }
0x15: {  	[timem:s7], [sflag:s23] =	dma.local [hbm:s5], s21  }
0x16: {  	_ =	swait.ge [sflag:s23], s21  }
0x17: {  	s4 =	ssub.s32 $0x0, s21;
	[sflag:s23] =	ssyncset.done $0x0  }
0x18: {  	[sflag:s23] =	ssyncadd.s32 s4;
	_ =	sdelay $0x1  }
0x19: {  	s24 =	simm.s32 $0x1B8B  }
0x1a: {  	_ =	swait.ge [sflag:s24], $0x1  }
0x1b: {  	[sflag:s24] =	ssyncset.done $0x0  }
0x1c: {  	s26 =	simm.s32 $0x1B8E;
	s25 =	sld [smem:$0x3FFE];
	[sflag:s24] =	ssyncadd.s32 $0xFFFFFFFF  }
0x1d: {  	s27 =	simm.s32 $execute0_lowered;
	[smem:$0x3FD2] =	sst s26  }
0x1e: {  	s5 =	sshll.u32 s27, $0x1;
	_ =	strace $0x80000049;
	[dreg:$0x1] =	wrdreg $0xFFFFFFFF  }
0x1f: {  	s28 =	simm.s32 $_size_execute0_lowered;
	s3 =	sadd.s32 s3, s5;
	[dreg:$0x0] =	wrdreg $0x0  }
0x20: {  	s5 =	sshll.u32 s28, $0x1;
	[dreg:$0x2] =	wrdreg s3  }
0x21: {  	[dreg:$0x3] =	wrdreg s5  }
0x22: {  	[dreg:$0x4] =	wrdreg $0xC0  }
0x23: {  	_ =	task [dreg:s7], $0x5FFFF  }
0x24: {  	[dreg:$0x1] =	wrdreg $0xFFFFFFFF  }
0x25: {  	[dreg:$0x0] =	wrdreg $0x60  }
0x26: {  	[dreg:$0x2] =	wrdreg s25  }
0x27: {  	[dreg:$0x3] =	wrdreg s2  }
0x28: {  	[dreg:$0x4] =	wrdreg $0x9  }
0x29: {  	_ =	task.clear_ibuf [dreg:s7], $0x5FFFF;
	_ =	strace $0x90000049  }
0x2a: {  	s29 =	simm.s32 $0x9;
	_ =	strace $0x8000004B  }
0x2b: {  	_ =	swait.ge [sflag:s29], $0x1  }
0x2c: {  	[sflag:s29] =	ssyncadd.s32 $0xFFFFFFFF  }
0x2d: {  	_ =	strace $0x9000004B  }
0x2e: {  	_ =	sfence  }
0x2f: {  	s30 =	sld [smem:$0x0];
	_ =	sdelay $0x2  }
0x30: {  	s31 =	sshll.u32 s1, $0xD;
	s1 =	sshrl.u32 s1, $0x2  }
0x31: {  	s3 =	sand.u32 $0x4000, s31;
	s1 =	sadd.s32 s1, s30  }
0x32: {  	s0 =	sor.u32 s3, s0;
	s1 =	sshll.u32 s1, $0x11  }
0x33: {  	s0 =	sor.u32 s1, s0  }
0x34: {  	s0 =	sadd.s32 $0x8F2B, s0  }
0x35: {  	[sflag:s0] =	ssyncadd.remote.s32 $0x1  }
0x36: {  	_ =	sfence.sel $0xFFFF  }
0x37: {  	[dreg:$0x0] =	wrdreg $0xFFFFFFFF;
	(pc) =	sbr.abs _section_cstart, $3  }
0x38: {  	[dreg:$0x1] =	wrdreg $0xFFFFFFFF  }
0x39: {  	_ =	task.clear_ibuf [dreg:s7], $0x2FFFF;
	_ =	strace $0x9FFFFFFF  }
0x3a: {  	(tm) =	ssettm $0x7FFFFFFF  }
0x3b: {  	_ =	shalt  }
tec
execute0_lowered:
.L_overlay_start_1:
0x0: {  	(tag) =	ssettag $0x1  }
0x1: {  	s0 =	srdreg.scid  }
0x2: {  	s1 =	sshll.u32 s0, $0x4  }
0x3: {  	s0 =	stileid.u32;
	s1 =	sand.u32 $0x10, s1  }
0x4: {  	s7 =	rddreg [dreg:$0x0];
	s1 =	sor.u32 s0, s1  }
0x5: {  	s4 =	simm.s32 $0x1;
	s8 =	simm.s32 $0x2;
	s2 =	sshll.u32 s1, $0x7  }
0x6: {  	s13 =	simm.s32 $0x0;
	s9 =	simm.s32 $0x20000;
	s1 =	ssub.s32 $0x4000, s2  }
0x7: {  	s14 =	simm.s32 $0x0;
	s11 =	simm.s32 $0x0;
	s3 =	sand.u32 $0xF80, s1  }
0x8: {  	s12 =	simm.s32 $0x0;
	s5 =	sshrl.u32 s1, $0xC;
	p0 =	sne.s32 s3, $0x0  }
.Ltmp0:
0x9: {  	s1 =	rddreg [dreg:$0x2];
	s4 =	simm.s32 @!p0 $0x0;
	(pc) =	sbr.rel .LBB1_1-.Ltmp0, $4  }
0xa: {  	s6 =	sadd.s32 $0xA00, s7;
	s3 =	rddreg [dreg:$0x1];
	s5 =	sadd.s32 s4, s5  }
0xb: {  	_ =	strace $0x8000004A;
	s4 =	simm.s32 $0x1;
	s5 =	smul.u32 $0xD, s5  }
0xc: {  	s7 =	sadd.s32 $0x40A00, s7;
	s10 =	smov.u32 s2;
	[sflag:s4] =	ssyncpa.u1 $0x0  }
0xd: {  	p0 =	por $0x0, $0x0;
	[sflag:s8] =	ssyncpa.u1 $0x0;
	s8 =	sadd.s32 $0x1, s5  }
.LBB1_7:
0xe: {  	s15 =	sadd.s32 $0x1000, s10  }
0xf: {  	s13 =	sadd.s32 $0x2, s11;
	s17 =	smov.u32 s11;
	p2 =	sgt.s32 s15, $0x3FFF  }
0x10: {  	s17 =	smov.u32 @p2 s13  }
0x11: {  	s15 =	smov.u32 @p2 s2;
	p2 =	sgt.s32 s17, $0x19  }
0x12: {  	s17 =	simm.s32 @p2 $0x0;
	p2 =	sne.s32 s12, s8  }
.Ltmp1:
0x13: {  	p1 =	slt.u32 s12, $0x2;
	(pc) =	sbr.rel @!p2 .LBB1_8-.Ltmp1, $4  }
0x14: {  	s16 =	simm.s32 @!p1 $0x2  }
0x15: {  	s14 =	smov.u32 s11;
	p0 =	por !p0, !p0;
	_ =	swait.ge @!p1 [sflag:s16], $0x2000  }
0x16: {  	s13 =	smov.u32 s10;
	[sflag:s16] =	ssyncset.done @!p1 $0x0;
	s10 =	smov.u32 s15  }
0x17: {  	s12 =	sadd.s32 $0x1, s12;
	[sflag:s16] =	ssyncadd.s32 @!p1 $0xFFFFE000;
	s11 =	smov.u32 s17  }
.LBB1_1:
0x18: {  	p1 =	sge.u32 s12, s5  }
0x19: {  	s15 =	sxor.u32 @!p1 $0xFFFFFFFF, s12;
	s16 =	sshll.u32 @!p1 s11, $0x12  }
0x1a: {  	s17 =	sshll.u32 @!p1 s10, $0x4;
	s19 =	simm.s32 @!p1 $0x20;
	s20 =	simm.s32 @!p1 $0x80  }
0x1b: {  	s15 =	sshll.u32 @!p1 s15, $0xD;
	s17 =	sand.u32 @!p1 $0x3FFF0, s17;
	s18 =	sadd.s32 @!p1 s6, s16  }
0x1c: {  	s16 =	sadd.s32 @!p1 s16, s7;
	s15 =	sand.u32 @!p1 $0x2000, s15;
	s18 =	sadd.s32 @!p1 s17, s18  }
0x1d: {  	[tilespmem:s15], [sflag:$0x1] =	stream.strided.gather @!p1 [hbm4b:s18+s19], $0x1000, s20, s19, $0x38;
	[tilespmem:$0x8080] =	vst v63  }
0x1e: {  	s31 =	sadd.s32 $0xFFFFFFFF, s12;
	s16 =	sadd.s32 @!p1 s17, s16;
	s15 =	sor.u32 @!p1 $0x1000, s15  }
0x1f: {  	[tilespmem:s15], [sflag:$0x1] =	stream.strided.gather @!p1 [hbm4b:s16+s19], $0x1000, s20, s19, $0x38;
	[tilespmem:$0x8080] =	vst v63  }
0x20: {  	p1 =	sge.u32 s31, s5  }
.Ltmp2:
0x21: {  	_ = 	snop;
	(pc) =	sbr.rel @p1 .LBB1_7-.Ltmp2, $1  }
0x22: {  	_ =	sdelay $0x3  }
0x23: {  	s15 =	simm.s32 $0x1;
	s17 =	sand.u32 $0x1, s12  }
0x24: {  	_ =	swait.ge [sflag:s4], $0x2000;
	s15 =	simm.s32 @!p0 $0x0;
	s17 =	smul.u32 $0x8100, s17  }
0x25: {  	p2 =	por $0x1, $0x1;
	[sflag:s4] =	ssyncset.done $0x0;
	s16 =	smul.u32 $0x8100, s15  }
0x26: {  	s18 =	sshll.u32 s15, $0xF;
	[sflag:s4] =	ssyncadd.s32 $0xFFFFE000;
	s30 =	sshrl.u32 s17, $0x2  }
0x27: {  	s31 =	sshrl.u32 s18, $0x2;
	s18 =	simm.s32 $0x0;
	s16 =	sshrl.u32 s16, $0x2  }
0x28: {  	s15 =	sor.u32 $0x4000, s30;
	s17 =	sadd.s32 $0x10, s31;
	s16 =	sor.u32 $0x4000, s16  }
.LBB1_3:
0x29: {  	s19 =	sshll.u32 s18, $0xC  }
0x2a: {  	s19 =	sand.u32 $0x3FFFF000, s19  }
0x2b: {  	s20 =	sadd.s32 s19, s17  }
0x2c: {  	s31 =	smul.u32 $0x4080, s18;
	v1 =	vld [tilespmem:s20+$0x0]  }
0x2d: {  	v0 =	vld [tilespmem:s20+$0xFFFFFFF0]  }
0x2e: {  	s18 =	sshra.s32 s31, $0x2  }
0x2f: {  	s18 =	sadd.s32 s18, s16  }
0x30: {  	s21 =	sadd.s32 $0x0, s18  }
0x31: {  	p1 =	por p2, p2;
	s19 =	simm.s32 $0x4;
	s20 =	sadd.s32 $0x20, s20;
	[tilespmem:s21+$0x810 ss:$0x81] =	vst.msk $0xffff, v1  }
.LBB1_4:
0x32: {  	v1 =	vld [tilespmem:s20+$0x0];
	p2 =	sne.s32 s19, $0x1FC;
	[tilespmem:s21+$0x0 ss:$0x81] =	vst.msk $0xffff, v0;
	s21 =	smov.u32 s19;
	s19 =	sadd.s32 $0x4, s19  }
.Ltmp3:
0x33: {  	v0 =	vld [tilespmem:s20+$0xFFFFFFF0];
	(pc) =	sbr.rel @p2 .LBB1_4-.Ltmp3, $4  }
0x34: {  	_ = 	snop  }
0x35: {  	s21 =	sshra.s32 s21, $0x2  }
0x36: {  	s21 =	sadd.s32 s21, s18  }
0x37: {  	s20 =	sadd.s32 $0x20, s20;
	[tilespmem:s21+$0x810 ss:$0x81] =	vst.msk $0xffff, v1  }
.Ltmp4:
0x38: {  	(pc) =	sbr.rel @p1 .LBB1_3-.Ltmp4, $2  }
0x39: {  	_ =	sdelay $0x2  }
0x3a: {  	[tilespmem:s21+$0x0 ss:$0x81] =	vst.msk $0xffff, v0;
	s18 =	simm.s32 $0x1;
	p2 =	por $0x0, $0x0  }
0x3b: {  	s16 =	sshll.u32 s13, $0x3;
	s17 =	sand.u32 $0x78, s13;
	s14 =	sshll.u32 s14, $0x10  }
.Ltmp5:
0x3c: {  	s30 =	sand.u32 $0xF800, s13;
	s16 =	sand.u32 $0x3C00, s16;
	(pc) =	sbr.rel .LBB1_7-.Ltmp5, $4  }
0x3d: {  	s31 =	sand.u32 $0x7, s13;
	s14 =	sadd.s32 s3, s14;
	s16 =	sor.u32 s17, s16  }
0x3e: {  	s13 =	sshll.u32 s31, $0x12;
	s14 =	sadd.s32 s30, s14;
	s16 =	sshrl.u32 s16, $0x3  }
0x3f: {  	s13 =	sor.u32 $0x400, s13;
	s14 =	sadd.s32 s16, s14  }
0x40: {  	[hbm4b:s14+s13] =	stream.strided.scatter [tilespmem:s15], [sflag:$0x2], $0x2000, s9, s13, $0x20;
	[tilespmem:$0x8080] =	vst v63  }
.LBB1_8:
0x41: {  	_ =	sfence.sel $0x180000  }
0x42: {  	s2 =	simm.s32 $0x1;
	[bflag:$0x0] =	sbarrier.arrive $0xFFFF  }
0x43: {  	s31 =	simm.s32 $0x2;
	[sflag:s2] =	ssyncpa.u1 $0x1  }
0x44: {  	[sflag:s31] =	ssyncpa.u1 $0x1  }
0x45: {  	p0 =	sne.s32 s0, $0x0;
	_ =	strace $0x9000004A  }
0x46: {  	s0 =	sadd.s32 @!p0 $0x100000, s1;
	[bflag:$0x2] =	sbarrier.arrive $0xFFFF  }
0x47: {  	[sflag:s0] =	ssyncadd.tile.s32 @!p0 $0x1;
	_ =	shalt  }
.Lfunc_end1:
_tile_overlayer_lowered:
.L_overlay_start_2:
0x48: {  	(tag) =	ssettag $0x2  }
0x49: {  	s0 =	rddreg [dreg:$0x0];
	s2 =	stileid.u32  }
0x4a: {  	s1 =	rddreg [dreg:$0x1];
	p0 =	sne.s32 s2, $0x0  }
0x4b: {  	s3 =	rddreg [dreg:$0x2];
	[bflag:$0x3] =	sbarrier.arrive $0xFFFF;
	s2 =	simm.s32 @!p0 $0x1C01  }
0x4c: {  	[timem:s3], [sflag:s2] =	dma.local @!p0 [hbm:s0], s1  }
0x4d: {  	s0 =	simm.s32 @!p0 $0x1  }
0x4e: {  	_ =	swait.ge @!p0 [sflag:s0], s1  }
0x4f: {  	s1 =	ssub.s32 @!p0 $0x0, s1;
	[sflag:s0] =	ssyncset.done @!p0 $0x0  }
0x50: {  	[sflag:s0] =	ssyncadd.s32 @!p0 s1  }
0x51: {  	[bflag:$0x3] =	sbarrier.arrive $0xFFFF  }
0x52: {  	_ =	shalt  }

</sc_bundles>
